<compile_context>
chip_gen: v7x
topology: tpu7x:2x2x1
jax: 0.10.2.dev20260603
libtpu: 0.0.44.dev20260713+nightly
codegen_flags: <defaults>
</compile_context>

<pallas_src>
import functools
import jax
import jax.numpy as jnp
from jax import lax
from jax.experimental import pallas as pl
from jax.experimental.pallas import tpu as pltpu
from jax.experimental.pallas import tpu_sc as plsc

B, S, H, E, K = 4, 4096, 2048, 16, 2
AUX_COEF = 0.01
Z_COEF = 0.001
N = B * S
T = 1024
NBLK = N // T
NW = 32
TPT = N // NW
WPB = T // TPT
L = 16


def _tc_kernel(x_ref, w_ref, lt_ref, stats_ref):
    i = pl.program_id(0)

    lt = jax.lax.dot_general(
        w_ref[...], x_ref[...],
        dimension_numbers=(((1,), (1,)), ((), ())),
        preferred_element_type=jnp.float32)

    for j in range(WPB):
        lt_ref[j] = lt[:, j * TPT:(j + 1) * TPT]

    m = jnp.max(lt, axis=0, keepdims=True)
    denom = jnp.sum(jnp.exp(lt - m), axis=0, keepdims=True)
    z = m + jnp.log(denom)
    zsq = jnp.sum(z * z, axis=1, keepdims=True)

    @pl.when(i == 0)
    def _init():
        stats_ref[...] = jnp.zeros_like(stats_ref)

    stats_ref[0:1, 0:1] += zsq


def _sc_kernel(lt_hbm, rw_hbm, se_hbm, ps_hbm, cn_hbm,
               lt_v, rw_v, se_v, ps_v, cn_v):
    wid = lax.axis_index("s") * 2 + lax.axis_index("c")

    pltpu.sync_copy(lt_hbm.at[wid], lt_v)

    zero = jnp.zeros((L,), jnp.float32)
    for e in range(E):
        ps_v[e, :] = zero
        cn_v[e, :] = zero

    ecode = [jnp.full((L,), e, jnp.int32) for e in range(E)]
    bige = jnp.full((L,), E, jnp.int32)
    neg = jnp.full((L,), -1e30, jnp.float32)
    one = jnp.full((L,), 1.0, jnp.float32)

    def body(g, _):
        tok = pl.ds(g * L, L)
        v = [lt_v[e, tok] for e in range(E)]

        m = v[0]
        for e in range(1, E):
            m = jnp.maximum(m, v[e])

        ex = [jnp.exp(v[e] - m) for e in range(E)]
        denom = ex[0]
        for e in range(1, E):
            denom = denom + ex[e]
        recip = one / denom

        a1 = jnp.where(v[0] == m, ecode[0], bige)
        for e in range(1, E):
            a1 = jnp.minimum(a1, jnp.where(v[e] == m, ecode[e], bige))

        vm = [jnp.where(a1 == ecode[e], neg, v[e]) for e in range(E)]
        m2 = vm[0]
        for e in range(1, E):
            m2 = jnp.maximum(m2, vm[e])

        a2 = jnp.where(vm[0] == m2, ecode[0], bige)
        for e in range(1, E):
            a2 = jnp.minimum(a2, jnp.where(vm[e] == m2, ecode[e], bige))

        w1 = one / (one + jnp.exp(m2 - m))
        rw_v[0, tok] = w1
        rw_v[1, tok] = one - w1
        se_v[0, tok] = a1
        se_v[1, tok] = a2

        for e in range(E):
            ps_v[e, :] = ps_v[e, :] + ex[e] * recip
            hit1 = jnp.where(a1 == ecode[e], one, zero)
            hit2 = jnp.where(a2 == ecode[e], one, zero)
            cn_v[e, :] = cn_v[e, :] + hit1 + hit2
        return 0

    lax.fori_loop(0, TPT // L, body, 0)

    pltpu.sync_copy(rw_v, rw_hbm.at[wid])
    pltpu.sync_copy(se_v, se_hbm.at[wid])
    pltpu.sync_copy(ps_v, ps_hbm.at[wid])
    pltpu.sync_copy(cn_v, cn_hbm.at[wid])


def kernel(hidden_states, gate_w):
    x = hidden_states.reshape(N, H)
    lt, stats = pl.pallas_call(
        _tc_kernel,
        grid=(NBLK,),
        in_specs=[
            pl.BlockSpec((T, H), lambda i: (i, 0)),
            pl.BlockSpec((E, H), lambda i: (0, 0)),
        ],
        out_specs=[
            pl.BlockSpec((WPB, E, TPT), lambda i: (i, 0, 0)),
            pl.BlockSpec((8, 128), lambda i: (0, 0)),
        ],
        out_shape=[
            jax.ShapeDtypeStruct((NW, E, TPT), jnp.float32),
            jax.ShapeDtypeStruct((8, 128), jnp.float32),
        ],
    )(x, gate_w)

    mesh = plsc.VectorSubcoreMesh(core_axis_name="c", subcore_axis_name="s")
    sck = functools.partial(
        pl.kernel,
        out_type=[
            jax.ShapeDtypeStruct((NW, K, TPT), jnp.float32),
            jax.ShapeDtypeStruct((NW, K, TPT), jnp.int32),
            jax.ShapeDtypeStruct((NW, E, L), jnp.float32),
            jax.ShapeDtypeStruct((NW, E, L), jnp.float32),
        ],
        mesh=mesh,
        scratch_types=[
            pltpu.VMEM((E, TPT), jnp.float32),
            pltpu.VMEM((K, TPT), jnp.float32),
            pltpu.VMEM((K, TPT), jnp.int32),
            pltpu.VMEM((E, L), jnp.float32),
            pltpu.VMEM((E, L), jnp.float32),
        ],
    )(_sc_kernel)
    rw2, se2, ps, cn = sck(lt)

    routing_weights = jnp.stack(
        [rw2[:, 0, :].reshape(N), rw2[:, 1, :].reshape(N)], axis=-1
    ).reshape(B, S, K)
    selected_experts = jnp.stack(
        [se2[:, 0, :].reshape(N), se2[:, 1, :].reshape(N)], axis=-1
    ).reshape(B, S, K)

    ps_tot = jnp.sum(ps, axis=(0, 2))
    cn_tot = jnp.sum(cn, axis=(0, 2))
    aux = jnp.sum(ps_tot * cn_tot) * (float(E) / (float(N) * float(N)))
    loss = AUX_COEF * aux + Z_COEF * (stats[0, 0] / float(N))
    return routing_weights, selected_experts, loss

# --- scband reference (transcript-rebuilt; emitter-appended) ---
"""Pipeline reference for scband-top-krouter-70334384439374 (READ-ONLY COPY).

The authoritative reference and input builder live on the scoring server;
editing this copy changes nothing except your own understanding.
"""

import jax, jax.numpy as jnp
import numpy as np

B, S, H, E, K = 4, 4096, 2048, 16, 2
AUX_COEF = 0.01
Z_COEF = 0.001


def setup_inputs(seed: int = 0) -> dict:
    key = jax.random.key(seed)
    k1, k2 = jax.random.split(key)
    hidden_states = jax.random.normal(k1, (B, S, H), dtype=jnp.float32)
    gate_w = jax.random.normal(k2, (E, H), dtype=jnp.float32) * 0.02
    return {"hidden_states": hidden_states, "gate_w": gate_w}


def reference(hidden_states, gate_w):
    # router logits: nn.Linear(hidden_size, num_experts, bias=False)
    router_logits = jnp.einsum('bsh,eh->bse', hidden_states, gate_w)
    probs = jax.nn.softmax(router_logits.astype(jnp.float32), axis=-1)
    routing_weights, selected_experts = jax.lax.top_k(probs, K)
    routing_weights = routing_weights / jnp.sum(routing_weights, axis=-1, keepdims=True)
    routing_weights = routing_weights.astype(hidden_states.dtype)

    # auxiliary load-balancing loss
    num_tokens = router_logits.shape[0] * router_logits.shape[1]
    expert_mask = jnp.sum(jax.nn.one_hot(selected_experts, E, dtype=jnp.float32), axis=-2)  # [B,S,E]
    tokens_per_expert = jnp.sum(expert_mask, axis=(0, 1)) / num_tokens
    router_prob_per_expert = jnp.sum(probs, axis=(0, 1)) / num_tokens
    aux_loss = E * jnp.sum(tokens_per_expert * router_prob_per_expert)

    # router z-loss
    z = jax.scipy.special.logsumexp(router_logits, axis=-1)
    z_loss = Z_COEF * jnp.mean(z ** 2)

    router_loss = AUX_COEF * aux_loss + z_loss
    return routing_weights, selected_experts, router_loss

if __name__ == "__main__":
    import jax
    _d = setup_inputs()
    print(jax.jit(kernel)(*tuple(_d.values())))

</pallas_src>

<mosaic_0001>
#map = affine_map<(d0, d1) -> (0, 0, 0)>
module attributes {stable_mosaic.version = 14 : i64} {
  func.func @_sc_kernel(%arg0: i32, %arg1: i32, %arg2: memref<32x16x512xf32, #tpu.memory_space<hbm>>, %arg3: memref<32x2x512xf32, #tpu.memory_space<hbm>>, %arg4: memref<32x2x512xi32, #tpu.memory_space<hbm>>, %arg5: memref<32x16x16xf32, #tpu.memory_space<hbm>>, %arg6: memref<32x16x16xf32, #tpu.memory_space<hbm>>, %arg7: memref<16x512xf32, #tpu.memory_space<vmem>>, %arg8: memref<2x512xf32, #tpu.memory_space<vmem>>, %arg9: memref<2x512xi32, #tpu.memory_space<vmem>>, %arg10: memref<16x16xf32, #tpu.memory_space<vmem>>, %arg11: memref<16x16xf32, #tpu.memory_space<vmem>>) attributes {dimension_semantics = [#tpu.dimension_semantics<core_parallel>, #tpu.dimension_semantics<subcore_parallel>], iteration_bounds = array<i64: 2, 16>, scalar_prefetch = 0 : i64, scratch_operands = 5 : i64, tpu.core_type = #tpu.core_type<sc_vector_subcore>, window_params = [{transform_indices = #map}, {transform_indices = #map}, {transform_indices = #map}, {transform_indices = #map}, {transform_indices = #map}]} {
    %mul3A = arith.constant 2 : i32
    %mul3A_0 = arith.muli %arg1, %mul3A : i32
    %add3A = arith.addi %mul3A_0, %arg0 : i32
    "tpu.region"() ({
      %run_scoped3A = tpu.sem_alloc : memref<!tpu.dma_semaphore, #tpu.memory_space<semaphore_mem>>
      %dma_start3A = arith.constant 0 : i32
      %dma_start3A_237 = arith.constant 0 : i32
      %dma_start3A_238 = tpu.memref_slice %arg2[%add3A, %dma_start3A, %dma_start3A_237] : memref<32x16x512xf32, #tpu.memory_space<hbm>> -> memref<1x16x512xf32, #tpu.memory_space<hbm>>
      %dma_start3A_239 = tpu.memref_squeeze %dma_start3A_238 : memref<1x16x512xf32, #tpu.memory_space<hbm>> -> memref<16x512xf32, #tpu.memory_space<hbm>>
      %dma_start3A_240 = arith.constant 0 : i32
      %dma_start3A_241 = arith.constant 0 : i32
      %dma_start3A_242 = tpu.memref_slice %arg2[%add3A, %dma_start3A_240, %dma_start3A_241] : memref<32x16x512xf32, #tpu.memory_space<hbm>> -> memref<1x16x512xf32, #tpu.memory_space<hbm>>
      %dma_start3A_243 = tpu.memref_squeeze %dma_start3A_242 : memref<1x16x512xf32, #tpu.memory_space<hbm>> -> memref<16x512xf32, #tpu.memory_space<hbm>>
      tpu.enqueue_dma source(%dma_start3A_243 : memref<16x512xf32, #tpu.memory_space<hbm>>) target(%arg7 : memref<16x512xf32, #tpu.memory_space<vmem>>) target_semaphore(%run_scoped3A : memref<!tpu.dma_semaphore, #tpu.memory_space<semaphore_mem>>)
      %dma_wait3A = arith.constant 0 : i32
      %dma_wait3A_244 = arith.constant 0 : i32
      %dma_wait3A_245 = tpu.memref_slice %arg2[%add3A, %dma_wait3A, %dma_wait3A_244] : memref<32x16x512xf32, #tpu.memory_space<hbm>> -> memref<1x16x512xf32, #tpu.memory_space<hbm>>
      %dma_wait3A_246 = tpu.memref_squeeze %dma_wait3A_245 : memref<1x16x512xf32, #tpu.memory_space<hbm>> -> memref<16x512xf32, #tpu.memory_space<hbm>>
      %dma_wait3A_247 = arith.constant 0 : i32
      %dma_wait3A_248 = arith.constant 0 : i32
      %dma_wait3A_249 = tpu.memref_slice %arg2[%add3A, %dma_wait3A_247, %dma_wait3A_248] : memref<32x16x512xf32, #tpu.memory_space<hbm>> -> memref<1x16x512xf32, #tpu.memory_space<hbm>>
      %dma_wait3A_250 = tpu.memref_squeeze %dma_wait3A_249 : memref<1x16x512xf32, #tpu.memory_space<hbm>> -> memref<16x512xf32, #tpu.memory_space<hbm>>
      tpu.wait_dma2 semaphore(%run_scoped3A : memref<!tpu.dma_semaphore, #tpu.memory_space<semaphore_mem>>) src(%dma_wait3A_250 : memref<16x512xf32, #tpu.memory_space<hbm>>) dst(%arg7 : memref<16x512xf32, #tpu.memory_space<vmem>>)
      tpu.yield
    }) : () -> ()
    %broadcast_in_dim3A = arith.constant 0.000000e+00 : f32
    %broadcast_in_dim3A_1 = vector.broadcast %broadcast_in_dim3A : f32 to vector<16xf32>
    %swap3A = arith.constant 0 : i32
    %swap3A_2 = arith.index_cast %swap3A : i32 to index
    %swap3A_3 = arith.constant 0 : index
    %swap3A_4 = tpu.vector_load %arg10[%swap3A_2, %swap3A_3] {strides = array<i32>} : memref<16x16xf32, #tpu.memory_space<vmem>>, vector<1x16xf32>,
    %swap3A_5 = vector.shape_cast %swap3A_4 : vector<1x16xf32> to vector<16xf32>
    %swap3A_6 = vector.shape_cast %broadcast_in_dim3A_1 : vector<16xf32> to vector<1x16xf32>
    tpu.vector_store %arg10[%swap3A_2, %swap3A_3], %swap3A_6 {strides = array<i32>} : memref<16x16xf32, #tpu.memory_space<vmem>>, vector<1x16xf32>,
    %swap3A_7 = arith.constant 0 : i32
    %swap3A_8 = arith.index_cast %swap3A_7 : i32 to index
    %swap3A_9 = arith.constant 0 : index
    %swap3A_10 = tpu.vector_load %arg11[%swap3A_8, %swap3A_9] {strides = array<i32>} : memref<16x16xf32, #tpu.memory_space<vmem>>, vector<1x16xf32>,
    %swap3A_11 = vector.shape_cast %swap3A_10 : vector<1x16xf32> to vector<16xf32>
    %swap3A_12 = vector.shape_cast %broadcast_in_dim3A_1 : vector<16xf32> to vector<1x16xf32>
    tpu.vector_store %arg11[%swap3A_8, %swap3A_9], %swap3A_12 {strides = array<i32>} : memref<16x16xf32, #tpu.memory_space<vmem>>, vector<1x16xf32>,
    %swap3A_13 = arith.constant 1 : i32
    %swap3A_14 = arith.index_cast %swap3A_13 : i32 to index
    %swap3A_15 = arith.constant 0 : index
    %swap3A_16 = tpu.vector_load %arg10[%swap3A_14, %swap3A_15] {strides = array<i32>} : memref<16x16xf32, #tpu.memory_space<vmem>>, vector<1x16xf32>,
    %swap3A_17 = vector.shape_cast %swap3A_16 : vector<1x16xf32> to vector<16xf32>
    %swap3A_18 = vector.shape_cast %broadcast_in_dim3A_1 : vector<16xf32> to vector<1x16xf32>
    tpu.vector_store %arg10[%swap3A_14, %swap3A_15], %swap3A_18 {strides = array<i32>} : memref<16x16xf32, #tpu.memory_space<vmem>>, vector<1x16xf32>,
    %swap3A_19 = arith.constant 1 : i32
    %swap3A_20 = arith.index_cast %swap3A_19 : i32 to index
    %swap3A_21 = arith.constant 0 : index
    %swap3A_22 = tpu.vector_load %arg11[%swap3A_20, %swap3A_21] {strides = array<i32>} : memref<16x16xf32, #tpu.memory_space<vmem>>, vector<1x16xf32>,
    %swap3A_23 = vector.shape_cast %swap3A_22 : vector<1x16xf32> to vector<16xf32>
    %swap3A_24 = vector.shape_cast %broadcast_in_dim3A_1 : vector<16xf32> to vector<1x16xf32>
    tpu.vector_store %arg11[%swap3A_20, %swap3A_21], %swap3A_24 {strides = array<i32>} : memref<16x16xf32, #tpu.memory_space<vmem>>, vector<1x16xf32>,
    %swap3A_25 = arith.constant 2 : i32
    %swap3A_26 = arith.index_cast %swap3A_25 : i32 to index
    %swap3A_27 = arith.constant 0 : index
    %swap3A_28 = tpu.vector_load %arg10[%swap3A_26, %swap3A_27] {strides = array<i32>} : memref<16x16xf32, #tpu.memory_space<vmem>>, vector<1x16xf32>,
    %swap3A_29 = vector.shape_cast %swap3A_28 : vector<1x16xf32> to vector<16xf32>
    %swap3A_30 = vector.shape_cast %broadcast_in_dim3A_1 : vector<16xf32> to vector<1x16xf32>
    tpu.vector_store %arg10[%swap3A_26, %swap3A_27], %swap3A_30 {strides = array<i32>} : memref<16x16xf32, #tpu.memory_space<vmem>>, vector<1x16xf32>,
    %swap3A_31 = arith.constant 2 : i32
    %swap3A_32 = arith.index_cast %swap3A_31 : i32 to index
    %swap3A_33 = arith.constant 0 : index
    %swap3A_34 = tpu.vector_load %arg11[%swap3A_32, %swap3A_33] {strides = array<i32>} : memref<16x16xf32, #tpu.memory_space<vmem>>, vector<1x16xf32>,
    %swap3A_35 = vector.shape_cast %swap3A_34 : vector<1x16xf32> to vector<16xf32>
    %swap3A_36 = vector.shape_cast %broadcast_in_dim3A_1 : vector<16xf32> to vector<1x16xf32>
    tpu.vector_store %arg11[%swap3A_32, %swap3A_33], %swap3A_36 {strides = array<i32>} : memref<16x16xf32, #tpu.memory_space<vmem>>, vector<1x16xf32>,
    %swap3A_37 = arith.constant 3 : i32
    %swap3A_38 = arith.index_cast %swap3A_37 : i32 to index
    %swap3A_39 = arith.constant 0 : index
    %swap3A_40 = tpu.vector_load %arg10[%swap3A_38, %swap3A_39] {strides = array<i32>} : memref<16x16xf32, #tpu.memory_space<vmem>>, vector<1x16xf32>,
    %swap3A_41 = vector.shape_cast %swap3A_40 : vector<1x16xf32> to vector<16xf32>
    %swap3A_42 = vector.shape_cast %broadcast_in_dim3A_1 : vector<16xf32> to vector<1x16xf32>
    tpu.vector_store %arg10[%swap3A_38, %swap3A_39], %swap3A_42 {strides = array<i32>} : memref<16x16xf32, #tpu.memory_space<vmem>>, vector<1x16xf32>,
    %swap3A_43 = arith.constant 3 : i32
    %swap3A_44 = arith.index_cast %swap3A_43 : i32 to index
    %swap3A_45 = arith.constant 0 : index
    %swap3A_46 = tpu.vector_load %arg11[%swap3A_44, %swap3A_45] {strides = array<i32>} : memref<16x16xf32, #tpu.memory_space<vmem>>, vector<1x16xf32>,
    %swap3A_47 = vector.shape_cast %swap3A_46 : vector<1x16xf32> to vector<16xf32>
    %swap3A_48 = vector.shape_cast %broadcast_in_dim3A_1 : vector<16xf32> to vector<1x16xf32>
    tpu.vector_store %arg11[%swap3A_44, %swap3A_45], %swap3A_48 {strides = array<i32>} : memref<16x16xf32, #tpu.memory_space<vmem>>, vector<1x16xf32>,
    %swap3A_49 = arith.constant 4 : i32
    %swap3A_50 = arith.index_cast %swap3A_49 : i32 to index
    %swap3A_51 = arith.constant 0 : index
    %swap3A_52 = tpu.vector_load %arg10[%swap3A_50, %swap3A_51] {strides = array<i32>} : memref<16x16xf32, #tpu.memory_space<vmem>>, vector<1x16xf32>,
    %swap3A_53 = vector.shape_cast %swap3A_52 : vector<1x16xf32> to vector<16xf32>
    %swap3A_54 = vector.shape_cast %broadcast_in_dim3A_1 : vector<16xf32> to vector<1x16xf32>
    tpu.vector_store %arg10[%swap3A_50, %swap3A_51], %swap3A_54 {strides = array<i32>} : memref<16x16xf32, #tpu.memory_space<vmem>>, vector<1x16xf32>,
    %swap3A_55 = arith.constant 4 : i32
    %swap3A_56 = arith.index_cast %swap3A_55 : i32 to index
    %swap3A_57 = arith.constant 0 : index
    %swap3A_58 = tpu.vector_load %arg11[%swap3A_56, %swap3A_57] {strides = array<i32>} : memref<16x16xf32, #tpu.memory_space<vmem>>, vector<1x16xf32>,
    %swap3A_59 = vector.shape_cast %swap3A_58 : vector<1x16xf32> to vector<16xf32>
    %swap3A_60 = vector.shape_cast %broadcast_in_dim3A_1 : vector<16xf32> to vector<1x16xf32>
    tpu.vector_store %arg11[%swap3A_56, %swap3A_57], %swap3A_60 {strides = array<i32>} : memref<16x16xf32, #tpu.memory_space<vmem>>, vector<1x16xf32>,
    %swap3A_61 = arith.constant 5 : i32
    %swap3A_62 = arith.index_cast %swap3A_61 : i32 to index
    %swap3A_63 = arith.constant 0 : index
    %swap3A_64 = tpu.vector_load %arg10[%swap3A_62, %swap3A_63] {strides = array<i32>} : memref<16x16xf32, #tpu.memory_space<vmem>>, vector<1x16xf32>,
    %swap3A_65 = vector.shape_cast %swap3A_64 : vector<1x16xf32> to vector<16xf32>
    %swap3A_66 = vector.shape_cast %broadcast_in_dim3A_1 : vector<16xf32> to vector<1x16xf32>
    tpu.vector_store %arg10[%swap3A_62, %swap3A_63], %swap3A_66 {strides = array<i32>} : memref<16x16xf32, #tpu.memory_space<vmem>>, vector<1x16xf32>,
    %swap3A_67 = arith.constant 5 : i32
    %swap3A_68 = arith.index_cast %swap3A_67 : i32 to index
    %swap3A_69 = arith.constant 0 : index
    %swap3A_70 = tpu.vector_load %arg11[%swap3A_68, %swap3A_69] {strides = array<i32>} : memref<16x16xf32, #tpu.memory_space<vmem>>, vector<1x16xf32>,
    %swap3A_71 = vector.shape_cast %swap3A_70 : vector<1x16xf32> to vector<16xf32>
    %swap3A_72 = vector.shape_cast %broadcast_in_dim3A_1 : vector<16xf32> to vector<1x16xf32>
    tpu.vector_store %arg11[%swap3A_68, %swap3A_69], %swap3A_72 {strides = array<i32>} : memref<16x16xf32, #tpu.memory_space<vmem>>, vector<1x16xf32>,
    %swap3A_73 = arith.constant 6 : i32
    %swap3A_74 = arith.index_cast %swap3A_73 : i32 to index
    %swap3A_75 = arith.constant 0 : index
    %swap3A_76 = tpu.vector_load %arg10[%swap3A_74, %swap3A_75] {strides = array<i32>} : memref<16x16xf32, #tpu.memory_space<vmem>>, vector<1x16xf32>,
    %swap3A_77 = vector.shape_cast %swap3A_76 : vector<1x16xf32> to vector<16xf32>
    %swap3A_78 = vector.shape_cast %broadcast_in_dim3A_1 : vector<16xf32> to vector<1x16xf32>
    tpu.vector_store %arg10[%swap3A_74, %swap3A_75], %swap3A_78 {strides = array<i32>} : memref<16x16xf32, #tpu.memory_space<vmem>>, vector<1x16xf32>,
    %swap3A_79 = arith.constant 6 : i32
    %swap3A_80 = arith.index_cast %swap3A_79 : i32 to index
    %swap3A_81 = arith.constant 0 : index
    %swap3A_82 = tpu.vector_load %arg11[%swap3A_80, %swap3A_81] {strides = array<i32>} : memref<16x16xf32, #tpu.memory_space<vmem>>, vector<1x16xf32>,
    %swap3A_83 = vector.shape_cast %swap3A_82 : vector<1x16xf32> to vector<16xf32>
    %swap3A_84 = vector.shape_cast %broadcast_in_dim3A_1 : vector<16xf32> to vector<1x16xf32>
    tpu.vector_store %arg11[%swap3A_80, %swap3A_81], %swap3A_84 {strides = array<i32>} : memref<16x16xf32, #tpu.memory_space<vmem>>, vector<1x16xf32>,
    %swap3A_85 = arith.constant 7 : i32
    %swap3A_86 = arith.index_cast %swap3A_85 : i32 to index
    %swap3A_87 = arith.constant 0 : index
    %swap3A_88 = tpu.vector_load %arg10[%swap3A_86, %swap3A_87] {strides = array<i32>} : memref<16x16xf32, #tpu.memory_space<vmem>>, vector<1x16xf32>,
    %swap3A_89 = vector.shape_cast %swap3A_88 : vector<1x16xf32> to vector<16xf32>
    %swap3A_90 = vector.shape_cast %broadcast_in_dim3A_1 : vector<16xf32> to vector<1x16xf32>
    tpu.vector_store %arg10[%swap3A_86, %swap3A_87], %swap3A_90 {strides = array<i32>} : memref<16x16xf32, #tpu.memory_space<vmem>>, vector<1x16xf32>,
    %swap3A_91 = arith.constant 7 : i32
    %swap3A_92 = arith.index_cast %swap3A_91 : i32 to index
    %swap3A_93 = arith.constant 0 : index
    %swap3A_94 = tpu.vector_load %arg11[%swap3A_92, %swap3A_93] {strides = array<i32>} : memref<16x16xf32, #tpu.memory_space<vmem>>, vector<1x16xf32>,
    %swap3A_95 = vector.shape_cast %swap3A_94 : vector<1x16xf32> to vector<16xf32>
    %swap3A_96 = vector.shape_cast %broadcast_in_dim3A_1 : vector<16xf32> to vector<1x16xf32>
    tpu.vector_store %arg11[%swap3A_92, %swap3A_93], %swap3A_96 {strides = array<i32>} : memref<16x16xf32, #tpu.memory_space<vmem>>, vector<1x16xf32>,
    %swap3A_97 = arith.constant 8 : i32
    %swap3A_98 = arith.index_cast %swap3A_97 : i32 to index
    %swap3A_99 = arith.constant 0 : index
    %swap3A_100 = tpu.vector_load %arg10[%swap3A_98, %swap3A_99] {strides = array<i32>} : memref<16x16xf32, #tpu.memory_space<vmem>>, vector<1x16xf32>,
    %swap3A_101 = vector.shape_cast %swap3A_100 : vector<1x16xf32> to vector<16xf32>
    %swap3A_102 = vector.shape_cast %broadcast_in_dim3A_1 : vector<16xf32> to vector<1x16xf32>
    tpu.vector_store %arg10[%swap3A_98, %swap3A_99], %swap3A_102 {strides = array<i32>} : memref<16x16xf32, #tpu.memory_space<vmem>>, vector<1x16xf32>,
    %swap3A_103 = arith.constant 8 : i32
    %swap3A_104 = arith.index_cast %swap3A_103 : i32 to index
    %swap3A_105 = arith.constant 0 : index
    %swap3A_106 = tpu.vector_load %arg11[%swap3A_104, %swap3A_105] {strides = array<i32>} : memref<16x16xf32, #tpu.memory_space<vmem>>, vector<1x16xf32>,
    %swap3A_107 = vector.shape_cast %swap3A_106 : vector<1x16xf32> to vector<16xf32>
    %swap3A_108 = vector.shape_cast %broadcast_in_dim3A_1 : vector<16xf32> to vector<1x16xf32>
    tpu.vector_store %arg11[%swap3A_104, %swap3A_105], %swap3A_108 {strides = array<i32>} : memref<16x16xf32, #tpu.memory_space<vmem>>, vector<1x16xf32>,
    %swap3A_109 = arith.constant 9 : i32
    %swap3A_110 = arith.index_cast %swap3A_109 : i32 to index
    %swap3A_111 = arith.constant 0 : index
    %swap3A_112 = tpu.vector_load %arg10[%swap3A_110, %swap3A_111] {strides = array<i32>} : memref<16x16xf32, #tpu.memory_space<vmem>>, vector<1x16xf32>,
    %swap3A_113 = vector.shape_cast %swap3A_112 : vector<1x16xf32> to vector<16xf32>
    %swap3A_114 = vector.shape_cast %broadcast_in_dim3A_1 : vector<16xf32> to vector<1x16xf32>
    tpu.vector_store %arg10[%swap3A_110, %swap3A_111], %swap3A_114 {strides = array<i32>} : memref<16x16xf32, #tpu.memory_space<vmem>>, vector<1x16xf32>,
    %swap3A_115 = arith.constant 9 : i32
    %swap3A_116 = arith.index_cast %swap3A_115 : i32 to index
    %swap3A_117 = arith.constant 0 : index
    %swap3A_118 = tpu.vector_load %arg11[%swap3A_116, %swap3A_117] {strides = array<i32>} : memref<16x16xf32, #tpu.memory_space<vmem>>, vector<1x16xf32>,
    %swap3A_119 = vector.shape_cast %swap3A_118 : vector<1x16xf32> to vector<16xf32>
    %swap3A_120 = vector.shape_cast %broadcast_in_dim3A_1 : vector<16xf32> to vector<1x16xf32>
    tpu.vector_store %arg11[%swap3A_116, %swap3A_117], %swap3A_120 {strides = array<i32>} : memref<16x16xf32, #tpu.memory_space<vmem>>, vector<1x16xf32>,
    %swap3A_121 = arith.constant 10 : i32
    %swap3A_122 = arith.index_cast %swap3A_121 : i32 to index
    %swap3A_123 = arith.constant 0 : index
    %swap3A_124 = tpu.vector_load %arg10[%swap3A_122, %swap3A_123] {strides = array<i32>} : memref<16x16xf32, #tpu.memory_space<vmem>>, vector<1x16xf32>,
    %swap3A_125 = vector.shape_cast %swap3A_124 : vector<1x16xf32> to vector<16xf32>
    %swap3A_126 = vector.shape_cast %broadcast_in_dim3A_1 : vector<16xf32> to vector<1x16xf32>
    tpu.vector_store %arg10[%swap3A_122, %swap3A_123], %swap3A_126 {strides = array<i32>} : memref<16x16xf32, #tpu.memory_space<vmem>>, vector<1x16xf32>,
    %swap3A_127 = arith.constant 10 : i32
    %swap3A_128 = arith.index_cast %swap3A_127 : i32 to index
    %swap3A_129 = arith.constant 0 : index
    %swap3A_130 = tpu.vector_load %arg11[%swap3A_128, %swap3A_129] {strides = array<i32>} : memref<16x16xf32, #tpu.memory_space<vmem>>, vector<1x16xf32>,
    %swap3A_131 = vector.shape_cast %swap3A_130 : vector<1x16xf32> to vector<16xf32>
    %swap3A_132 = vector.shape_cast %broadcast_in_dim3A_1 : vector<16xf32> to vector<1x16xf32>
    tpu.vector_store %arg11[%swap3A_128, %swap3A_129], %swap3A_132 {strides = array<i32>} : memref<16x16xf32, #tpu.memory_space<vmem>>, vector<1x16xf32>,
    %swap3A_133 = arith.constant 11 : i32
    %swap3A_134 = arith.index_cast %swap3A_133 : i32 to index
    %swap3A_135 = arith.constant 0 : index
    %swap3A_136 = tpu.vector_load %arg10[%swap3A_134, %swap3A_135] {strides = array<i32>} : memref<16x16xf32, #tpu.memory_space<vmem>>, vector<1x16xf32>,
    %swap3A_137 = vector.shape_cast %swap3A_136 : vector<1x16xf32> to vector<16xf32>
    %swap3A_138 = vector.shape_cast %broadcast_in_dim3A_1 : vector<16xf32> to vector<1x16xf32>
    tpu.vector_store %arg10[%swap3A_134, %swap3A_135], %swap3A_138 {strides = array<i32>} : memref<16x16xf32, #tpu.memory_space<vmem>>, vector<1x16xf32>,
    %swap3A_139 = arith.constant 11 : i32
    %swap3A_140 = arith.index_cast %swap3A_139 : i32 to index
    %swap3A_141 = arith.constant 0 : index
    %swap3A_142 = tpu.vector_load %arg11[%swap3A_140, %swap3A_141] {strides = array<i32>} : memref<16x16xf32, #tpu.memory_space<vmem>>, vector<1x16xf32>,
    %swap3A_143 = vector.shape_cast %swap3A_142 : vector<1x16xf32> to vector<16xf32>
    %swap3A_144 = vector.shape_cast %broadcast_in_dim3A_1 : vector<16xf32> to vector<1x16xf32>
    tpu.vector_store %arg11[%swap3A_140, %swap3A_141], %swap3A_144 {strides = array<i32>} : memref<16x16xf32, #tpu.memory_space<vmem>>, vector<1x16xf32>,
    %swap3A_145 = arith.constant 12 : i32
    %swap3A_146 = arith.index_cast %swap3A_145 : i32 to index
    %swap3A_147 = arith.constant 0 : index
    %swap3A_148 = tpu.vector_load %arg10[%swap3A_146, %swap3A_147] {strides = array<i32>} : memref<16x16xf32, #tpu.memory_space<vmem>>, vector<1x16xf32>,
    %swap3A_149 = vector.shape_cast %swap3A_148 : vector<1x16xf32> to vector<16xf32>
    %swap3A_150 = vector.shape_cast %broadcast_in_dim3A_1 : vector<16xf32> to vector<1x16xf32>
    tpu.vector_store %arg10[%swap3A_146, %swap3A_147], %swap3A_150 {strides = array<i32>} : memref<16x16xf32, #tpu.memory_space<vmem>>, vector<1x16xf32>,
    %swap3A_151 = arith.constant 12 : i32
    %swap3A_152 = arith.index_cast %swap3A_151 : i32 to index
    %swap3A_153 = arith.constant 0 : index
    %swap3A_154 = tpu.vector_load %arg11[%swap3A_152, %swap3A_153] {strides = array<i32>} : memref<16x16xf32, #tpu.memory_space<vmem>>, vector<1x16xf32>,
    %swap3A_155 = vector.shape_cast %swap3A_154 : vector<1x16xf32> to vector<16xf32>
    %swap3A_156 = vector.shape_cast %broadcast_in_dim3A_1 : vector<16xf32> to vector<1x16xf32>
    tpu.vector_store %arg11[%swap3A_152, %swap3A_153], %swap3A_156 {strides = array<i32>} : memref<16x16xf32, #tpu.memory_space<vmem>>, vector<1x16xf32>,
    %swap3A_157 = arith.constant 13 : i32
    %swap3A_158 = arith.index_cast %swap3A_157 : i32 to index
    %swap3A_159 = arith.constant 0 : index
    %swap3A_160 = tpu.vector_load %arg10[%swap3A_158, %swap3A_159] {strides = array<i32>} : memref<16x16xf32, #tpu.memory_space<vmem>>, vector<1x16xf32>,
    %swap3A_161 = vector.shape_cast %swap3A_160 : vector<1x16xf32> to vector<16xf32>
    %swap3A_162 = vector.shape_cast %broadcast_in_dim3A_1 : vector<16xf32> to vector<1x16xf32>
    tpu.vector_store %arg10[%swap3A_158, %swap3A_159], %swap3A_162 {strides = array<i32>} : memref<16x16xf32, #tpu.memory_space<vmem>>, vector<1x16xf32>,
    %swap3A_163 = arith.constant 13 : i32
    %swap3A_164 = arith.index_cast %swap3A_163 : i32 to index
    %swap3A_165 = arith.constant 0 : index
    %swap3A_166 = tpu.vector_load %arg11[%swap3A_164, %swap3A_165] {strides = array<i32>} : memref<16x16xf32, #tpu.memory_space<vmem>>, vector<1x16xf32>,
    %swap3A_167 = vector.shape_cast %swap3A_166 : vector<1x16xf32> to vector<16xf32>
    %swap3A_168 = vector.shape_cast %broadcast_in_dim3A_1 : vector<16xf32> to vector<1x16xf32>
    tpu.vector_store %arg11[%swap3A_164, %swap3A_165], %swap3A_168 {strides = array<i32>} : memref<16x16xf32, #tpu.memory_space<vmem>>, vector<1x16xf32>,
    %swap3A_169 = arith.constant 14 : i32
    %swap3A_170 = arith.index_cast %swap3A_169 : i32 to index
    %swap3A_171 = arith.constant 0 : index
    %swap3A_172 = tpu.vector_load %arg10[%swap3A_170, %swap3A_171] {strides = array<i32>} : memref<16x16xf32, #tpu.memory_space<vmem>>, vector<1x16xf32>,
    %swap3A_173 = vector.shape_cast %swap3A_172 : vector<1x16xf32> to vector<16xf32>
    %swap3A_174 = vector.shape_cast %broadcast_in_dim3A_1 : vector<16xf32> to vector<1x16xf32>
    tpu.vector_store %arg10[%swap3A_170, %swap3A_171], %swap3A_174 {strides = array<i32>} : memref<16x16xf32, #tpu.memory_space<vmem>>, vector<1x16xf32>,
    %swap3A_175 = arith.constant 14 : i32
    %swap3A_176 = arith.index_cast %swap3A_175 : i32 to index
    %swap3A_177 = arith.constant 0 : index
    %swap3A_178 = tpu.vector_load %arg11[%swap3A_176, %swap3A_177] {strides = array<i32>} : memref<16x16xf32, #tpu.memory_space<vmem>>, vector<1x16xf32>,
    %swap3A_179 = vector.shape_cast %swap3A_178 : vector<1x16xf32> to vector<16xf32>
    %swap3A_180 = vector.shape_cast %broadcast_in_dim3A_1 : vector<16xf32> to vector<1x16xf32>
    tpu.vector_store %arg11[%swap3A_176, %swap3A_177], %swap3A_180 {strides = array<i32>} : memref<16x16xf32, #tpu.memory_space<vmem>>, vector<1x16xf32>,
    %swap3A_181 = arith.constant 15 : i32
    %swap3A_182 = arith.index_cast %swap3A_181 : i32 to index
    %swap3A_183 = arith.constant 0 : index
    %swap3A_184 = tpu.vector_load %arg10[%swap3A_182, %swap3A_183] {strides = array<i32>} : memref<16x16xf32, #tpu.memory_space<vmem>>, vector<1x16xf32>,
    %swap3A_185 = vector.shape_cast %swap3A_184 : vector<1x16xf32> to vector<16xf32>
    %swap3A_186 = vector.shape_cast %broadcast_in_dim3A_1 : vector<16xf32> to vector<1x16xf32>
    tpu.vector_store %arg10[%swap3A_182, %swap3A_183], %swap3A_186 {strides = array<i32>} : memref<16x16xf32, #tpu.memory_space<vmem>>, vector<1x16xf32>,
    %swap3A_187 = arith.constant 15 : i32
    %swap3A_188 = arith.index_cast %swap3A_187 : i32 to index
    %swap3A_189 = arith.constant 0 : index
    %swap3A_190 = tpu.vector_load %arg11[%swap3A_188, %swap3A_189] {strides = array<i32>} : memref<16x16xf32, #tpu.memory_space<vmem>>, vector<1x16xf32>,
    %swap3A_191 = vector.shape_cast %swap3A_190 : vector<1x16xf32> to vector<16xf32>
    %swap3A_192 = vector.shape_cast %broadcast_in_dim3A_1 : vector<16xf32> to vector<1x16xf32>
    tpu.vector_store %arg11[%swap3A_188, %swap3A_189], %swap3A_192 {strides = array<i32>} : memref<16x16xf32, #tpu.memory_space<vmem>>, vector<1x16xf32>,
    %broadcast_in_dim3A_193 = arith.constant 0 : i32
    %broadcast_in_dim3A_194 = vector.broadcast %broadcast_in_dim3A_193 : i32 to vector<16xi32>
    %broadcast_in_dim3A_195 = arith.constant 1 : i32
    %broadcast_in_dim3A_196 = vector.broadcast %broadcast_in_dim3A_195 : i32 to vector<16xi32>
    %broadcast_in_dim3A_197 = arith.constant 2 : i32
    %broadcast_in_dim3A_198 = vector.broadcast %broadcast_in_dim3A_197 : i32 to vector<16xi32>
    %broadcast_in_dim3A_199 = arith.constant 3 : i32
    %broadcast_in_dim3A_200 = vector.broadcast %broadcast_in_dim3A_199 : i32 to vector<16xi32>
    %broadcast_in_dim3A_201 = arith.constant 4 : i32
    %broadcast_in_dim3A_202 = vector.broadcast %broadcast_in_dim3A_201 : i32 to vector<16xi32>
    %broadcast_in_dim3A_203 = arith.constant 5 : i32
    %broadcast_in_dim3A_204 = vector.broadcast %broadcast_in_dim3A_203 : i32 to vector<16xi32>
    %broadcast_in_dim3A_205 = arith.constant 6 : i32
    %broadcast_in_dim3A_206 = vector.broadcast %broadcast_in_dim3A_205 : i32 to vector<16xi32>
    %broadcast_in_dim3A_207 = arith.constant 7 : i32
    %broadcast_in_dim3A_208 = vector.broadcast %broadcast_in_dim3A_207 : i32 to vector<16xi32>
    %broadcast_in_dim3A_209 = arith.constant 8 : i32
    %broadcast_in_dim3A_210 = vector.broadcast %broadcast_in_dim3A_209 : i32 to vector<16xi32>
    %broadcast_in_dim3A_211 = arith.constant 9 : i32
    %broadcast_in_dim3A_212 = vector.broadcast %broadcast_in_dim3A_211 : i32 to vector<16xi32>
    %broadcast_in_dim3A_213 = arith.constant 10 : i32
    %broadcast_in_dim3A_214 = vector.broadcast %broadcast_in_dim3A_213 : i32 to vector<16xi32>
    %broadcast_in_dim3A_215 = arith.constant 11 : i32
    %broadcast_in_dim3A_216 = vector.broadcast %broadcast_in_dim3A_215 : i32 to vector<16xi32>
    %broadcast_in_dim3A_217 = arith.constant 12 : i32
    %broadcast_in_dim3A_218 = vector.broadcast %broadcast_in_dim3A_217 : i32 to vector<16xi32>
    %broadcast_in_dim3A_219 = arith.constant 13 : i32
    %broadcast_in_dim3A_220 = vector.broadcast %broadcast_in_dim3A_219 : i32 to vector<16xi32>
    %broadcast_in_dim3A_221 = arith.constant 14 : i32
    %broadcast_in_dim3A_222 = vector.broadcast %broadcast_in_dim3A_221 : i32 to vector<16xi32>
    %broadcast_in_dim3A_223 = arith.constant 15 : i32
    %broadcast_in_dim3A_224 = vector.broadcast %broadcast_in_dim3A_223 : i32 to vector<16xi32>
    %broadcast_in_dim3A_225 = arith.constant 16 : i32
    %broadcast_in_dim3A_226 = vector.broadcast %broadcast_in_dim3A_225 : i32 to vector<16xi32>
    %broadcast_in_dim3A_227 = arith.constant -1.000000e+30 : f32
    %broadcast_in_dim3A_228 = vector.broadcast %broadcast_in_dim3A_227 : f32 to vector<16xf32>
    %broadcast_in_dim3A_229 = arith.constant 1.000000e+00 : f32
    %broadcast_in_dim3A_230 = vector.broadcast %broadcast_in_dim3A_229 : f32 to vector<16xf32>
    %scan3A = arith.constant 0 : i32
    %scan3A_231 = arith.constant 0 : i32
    %scan3A_232 = arith.constant 32 : i32
    %scan3A_233 = arith.addi %scan3A_231, %scan3A_232 : i32
    %scan3A_234 = arith.constant 1 : i32
    %scan3A_235 = scf.for %scan3A_237 = %scan3A_231 to %scan3A_233 step %scan3A_234 iter_args(%scan3A_238 = %scan3A) -> (i32)  : i32 {
      %mul3A_239 = arith.constant 16 : i32
      %mul3A_240 = arith.muli %scan3A_237, %mul3A_239 : i32
      %get3A = arith.constant 0 : i32
      %get3A_241 = arith.index_cast %get3A : i32 to index
      %get3A_242 = arith.index_cast %mul3A_240 : i32 to index
      %get3A_243 = tpu.vector_load %arg7[%get3A_241, %get3A_242] {strides = array<i32>} : memref<16x512xf32, #tpu.memory_space<vmem>>, vector<1x16xf32>,
      %get3A_244 = vector.shape_cast %get3A_243 : vector<1x16xf32> to vector<16xf32>
      %get3A_245 = arith.constant 1 : i32
      %get3A_246 = arith.index_cast %get3A_245 : i32 to index
      %get3A_247 = arith.index_cast %mul3A_240 : i32 to index
      %get3A_248 = tpu.vector_load %arg7[%get3A_246, %get3A_247] {strides = array<i32>} : memref<16x512xf32, #tpu.memory_space<vmem>>, vector<1x16xf32>,
      %get3A_249 = vector.shape_cast %get3A_248 : vector<1x16xf32> to vector<16xf32>
      %get3A_250 = arith.constant 2 : i32
      %get3A_251 = arith.index_cast %get3A_250 : i32 to index
      %get3A_252 = arith.index_cast %mul3A_240 : i32 to index
      %get3A_253 = tpu.vector_load %arg7[%get3A_251, %get3A_252] {strides = array<i32>} : memref<16x512xf32, #tpu.memory_space<vmem>>, vector<1x16xf32>,
      %get3A_254 = vector.shape_cast %get3A_253 : vector<1x16xf32> to vector<16xf32>
      %get3A_255 = arith.constant 3 : i32
      %get3A_256 = arith.index_cast %get3A_255 : i32 to index
      %get3A_257 = arith.index_cast %mul3A_240 : i32 to index
      %get3A_258 = tpu.vector_load %arg7[%get3A_256, %get3A_257] {strides = array<i32>} : memref<16x512xf32, #tpu.memory_space<vmem>>, vector<1x16xf32>,
      %get3A_259 = vector.shape_cast %get3A_258 : vector<1x16xf32> to vector<16xf32>
      %get3A_260 = arith.constant 4 : i32
      %get3A_261 = arith.index_cast %get3A_260 : i32 to index
      %get3A_262 = arith.index_cast %mul3A_240 : i32 to index
      %get3A_263 = tpu.vector_load %arg7[%get3A_261, %get3A_262] {strides = array<i32>} : memref<16x512xf32, #tpu.memory_space<vmem>>, vector<1x16xf32>,
      %get3A_264 = vector.shape_cast %get3A_263 : vector<1x16xf32> to vector<16xf32>
      %get3A_265 = arith.constant 5 : i32
      %get3A_266 = arith.index_cast %get3A_265 : i32 to index
      %get3A_267 = arith.index_cast %mul3A_240 : i32 to index
      %get3A_268 = tpu.vector_load %arg7[%get3A_266, %get3A_267] {strides = array<i32>} : memref<16x512xf32, #tpu.memory_space<vmem>>, vector<1x16xf32>,
      %get3A_269 = vector.shape_cast %get3A_268 : vector<1x16xf32> to vector<16xf32>
      %get3A_270 = arith.constant 6 : i32
      %get3A_271 = arith.index_cast %get3A_270 : i32 to index
      %get3A_272 = arith.index_cast %mul3A_240 : i32 to index
      %get3A_273 = tpu.vector_load %arg7[%get3A_271, %get3A_272] {strides = array<i32>} : memref<16x512xf32, #tpu.memory_space<vmem>>, vector<1x16xf32>,
      %get3A_274 = vector.shape_cast %get3A_273 : vector<1x16xf32> to vector<16xf32>
      %get3A_275 = arith.constant 7 : i32
      %get3A_276 = arith.index_cast %get3A_275 : i32 to index
      %get3A_277 = arith.index_cast %mul3A_240 : i32 to index
      %get3A_278 = tpu.vector_load %arg7[%get3A_276, %get3A_277] {strides = array<i32>} : memref<16x512xf32, #tpu.memory_space<vmem>>, vector<1x16xf32>,
      %get3A_279 = vector.shape_cast %get3A_278 : vector<1x16xf32> to vector<16xf32>
      %get3A_280 = arith.constant 8 : i32
      %get3A_281 = arith.index_cast %get3A_280 : i32 to index
      %get3A_282 = arith.index_cast %mul3A_240 : i32 to index
      %get3A_283 = tpu.vector_load %arg7[%get3A_281, %get3A_282] {strides = array<i32>} : memref<16x512xf32, #tpu.memory_space<vmem>>, vector<1x16xf32>,
      %get3A_284 = vector.shape_cast %get3A_283 : vector<1x16xf32> to vector<16xf32>
      %get3A_285 = arith.constant 9 : i32
      %get3A_286 = arith.index_cast %get3A_285 : i32 to index
      %get3A_287 = arith.index_cast %mul3A_240 : i32 to index
      %get3A_288 = tpu.vector_load %arg7[%get3A_286, %get3A_287] {strides = array<i32>} : memref<16x512xf32, #tpu.memory_space<vmem>>, vector<1x16xf32>,
      %get3A_289 = vector.shape_cast %get3A_288 : vector<1x16xf32> to vector<16xf32>
      %get3A_290 = arith.constant 10 : i32
      %get3A_291 = arith.index_cast %get3A_290 : i32 to index
      %get3A_292 = arith.index_cast %mul3A_240 : i32 to index
      %get3A_293 = tpu.vector_load %arg7[%get3A_291, %get3A_292] {strides = array<i32>} : memref<16x512xf32, #tpu.memory_space<vmem>>, vector<1x16xf32>,
      %get3A_294 = vector.shape_cast %get3A_293 : vector<1x16xf32> to vector<16xf32>
      %get3A_295 = arith.constant 11 : i32
      %get3A_296 = arith.index_cast %get3A_295 : i32 to index
      %get3A_297 = arith.index_cast %mul3A_240 : i32 to index
      %get3A_298 = tpu.vector_load %arg7[%get3A_296, %get3A_297] {strides = array<i32>} : memref<16x512xf32, #tpu.memory_space<vmem>>, vector<1x16xf32>,
      %get3A_299 = vector.shape_cast %get3A_298 : vector<1x16xf32> to vector<16xf32>
      %get3A_300 = arith.constant 12 : i32
      %get3A_301 = arith.index_cast %get3A_300 : i32 to index
      %get3A_302 = arith.index_cast %mul3A_240 : i32 to index
      %get3A_303 = tpu.vector_load %arg7[%get3A_301, %get3A_302] {strides = array<i32>} : memref<16x512xf32, #tpu.memory_space<vmem>>, vector<1x16xf32>,
      %get3A_304 = vector.shape_cast %get3A_303 : vector<1x16xf32> to vector<16xf32>
      %get3A_305 = arith.constant 13 : i32
      %get3A_306 = arith.index_cast %get3A_305 : i32 to index
      %get3A_307 = arith.index_cast %mul3A_240 : i32 to index
      %get3A_308 = tpu.vector_load %arg7[%get3A_306, %get3A_307] {strides = array<i32>} : memref<16x512xf32, #tpu.memory_space<vmem>>, vector<1x16xf32>,
      %get3A_309 = vector.shape_cast %get3A_308 : vector<1x16xf32> to vector<16xf32>
      %get3A_310 = arith.constant 14 : i32
      %get3A_311 = arith.index_cast %get3A_310 : i32 to index
      %get3A_312 = arith.index_cast %mul3A_240 : i32 to index
      %get3A_313 = tpu.vector_load %arg7[%get3A_311, %get3A_312] {strides = array<i32>} : memref<16x512xf32, #tpu.memory_space<vmem>>, vector<1x16xf32>,
      %get3A_314 = vector.shape_cast %get3A_313 : vector<1x16xf32> to vector<16xf32>
      %get3A_315 = arith.constant 15 : i32
      %get3A_316 = arith.index_cast %get3A_315 : i32 to index
      %get3A_317 = arith.index_cast %mul3A_240 : i32 to index
      %get3A_318 = tpu.vector_load %arg7[%get3A_316, %get3A_317] {strides = array<i32>} : memref<16x512xf32, #tpu.memory_space<vmem>>, vector<1x16xf32>,
      %get3A_319 = vector.shape_cast %get3A_318 : vector<1x16xf32> to vector<16xf32>
      %max3A = arith.maximumf %get3A_244, %get3A_249 : vector<16xf32>
      %max3A_320 = arith.maximumf %max3A, %get3A_254 : vector<16xf32>
      %max3A_321 = arith.maximumf %max3A_320, %get3A_259 : vector<16xf32>
      %max3A_322 = arith.maximumf %max3A_321, %get3A_264 : vector<16xf32>
      %max3A_323 = arith.maximumf %max3A_322, %get3A_269 : vector<16xf32>
      %max3A_324 = arith.maximumf %max3A_323, %get3A_274 : vector<16xf32>
      %max3A_325 = arith.maximumf %max3A_324, %get3A_279 : vector<16xf32>
      %max3A_326 = arith.maximumf %max3A_325, %get3A_284 : vector<16xf32>
      %max3A_327 = arith.maximumf %max3A_326, %get3A_289 : vector<16xf32>
      %max3A_328 = arith.maximumf %max3A_327, %get3A_294 : vector<16xf32>
      %max3A_329 = arith.maximumf %max3A_328, %get3A_299 : vector<16xf32>
      %max3A_330 = arith.maximumf %max3A_329, %get3A_304 : vector<16xf32>
      %max3A_331 = arith.maximumf %max3A_330, %get3A_309 : vector<16xf32>
      %max3A_332 = arith.maximumf %max3A_331, %get3A_314 : vector<16xf32>
      %max3A_333 = arith.maximumf %max3A_332, %get3A_319 : vector<16xf32>
      %sub3A = arith.subf %get3A_244, %max3A_333 : vector<16xf32>
      %exp3A = math.exp %sub3A : vector<16xf32>
      %sub3A_334 = arith.subf %get3A_249, %max3A_333 : vector<16xf32>
      %exp3A_335 = math.exp %sub3A_334 : vector<16xf32>
      %sub3A_336 = arith.subf %get3A_254, %max3A_333 : vector<16xf32>
      %exp3A_337 = math.exp %sub3A_336 : vector<16xf32>
      %sub3A_338 = arith.subf %get3A_259, %max3A_333 : vector<16xf32>
      %exp3A_339 = math.exp %sub3A_338 : vector<16xf32>
      %sub3A_340 = arith.subf %get3A_264, %max3A_333 : vector<16xf32>
      %exp3A_341 = math.exp %sub3A_340 : vector<16xf32>
      %sub3A_342 = arith.subf %get3A_269, %max3A_333 : vector<16xf32>
      %exp3A_343 = math.exp %sub3A_342 : vector<16xf32>
      %sub3A_344 = arith.subf %get3A_274, %max3A_333 : vector<16xf32>
      %exp3A_345 = math.exp %sub3A_344 : vector<16xf32>
      %sub3A_346 = arith.subf %get3A_279, %max3A_333 : vector<16xf32>
      %exp3A_347 = math.exp %sub3A_346 : vector<16xf32>
      %sub3A_348 = arith.subf %get3A_284, %max3A_333 : vector<16xf32>
      %exp3A_349 = math.exp %sub3A_348 : vector<16xf32>
      %sub3A_350 = arith.subf %get3A_289, %max3A_333 : vector<16xf32>
      %exp3A_351 = math.exp %sub3A_350 : vector<16xf32>
      %sub3A_352 = arith.subf %get3A_294, %max3A_333 : vector<16xf32>
      %exp3A_353 = math.exp %sub3A_352 : vector<16xf32>
      %sub3A_354 = arith.subf %get3A_299, %max3A_333 : vector<16xf32>
      %exp3A_355 = math.exp %sub3A_354 : vector<16xf32>
      %sub3A_356 = arith.subf %get3A_304, %max3A_333 : vector<16xf32>
      %exp3A_357 = math.exp %sub3A_356 : vector<16xf32>
      %sub3A_358 = arith.subf %get3A_309, %max3A_333 : vector<16xf32>
      %exp3A_359 = math.exp %sub3A_358 : vector<16xf32>
      %sub3A_360 = arith.subf %get3A_314, %max3A_333 : vector<16xf32>
      %exp3A_361 = math.exp %sub3A_360 : vector<16xf32>
      %sub3A_362 = arith.subf %get3A_319, %max3A_333 : vector<16xf32>
      %exp3A_363 = math.exp %sub3A_362 : vector<16xf32>
      %add3A_364 = arith.addf %exp3A, %exp3A_335 : vector<16xf32>
      %add3A_365 = arith.addf %add3A_364, %exp3A_337 : vector<16xf32>
      %add3A_366 = arith.addf %add3A_365, %exp3A_339 : vector<16xf32>
      %add3A_367 = arith.addf %add3A_366, %exp3A_341 : vector<16xf32>
      %add3A_368 = arith.addf %add3A_367, %exp3A_343 : vector<16xf32>
      %add3A_369 = arith.addf %add3A_368, %exp3A_345 : vector<16xf32>
      %add3A_370 = arith.addf %add3A_369, %exp3A_347 : vector<16xf32>
      %add3A_371 = arith.addf %add3A_370, %exp3A_349 : vector<16xf32>
      %add3A_372 = arith.addf %add3A_371, %exp3A_351 : vector<16xf32>
      %add3A_373 = arith.addf %add3A_372, %exp3A_353 : vector<16xf32>
      %add3A_374 = arith.addf %add3A_373, %exp3A_355 : vector<16xf32>
      %add3A_375 = arith.addf %add3A_374, %exp3A_357 : vector<16xf32>
      %add3A_376 = arith.addf %add3A_375, %exp3A_359 : vector<16xf32>
      %add3A_377 = arith.addf %add3A_376, %exp3A_361 : vector<16xf32>
      %add3A_378 = arith.addf %add3A_377, %exp3A_363 : vector<16xf32>
      %div3A = arith.divf %broadcast_in_dim3A_230, %add3A_378 : vector<16xf32>
      %eq3A = arith.cmpf oeq, %get3A_244, %max3A_333 : vector<16xf32>
      %select_n3A = arith.select %eq3A, %broadcast_in_dim3A_194, %broadcast_in_dim3A_226 : vector<16xi1>, vector<16xi32>
      %eq3A_379 = arith.cmpf oeq, %get3A_249, %max3A_333 : vector<16xf32>
      %select_n3A_380 = arith.select %eq3A_379, %broadcast_in_dim3A_196, %broadcast_in_dim3A_226 : vector<16xi1>, vector<16xi32>
      %min3A = arith.minsi %select_n3A, %select_n3A_380 : vector<16xi32>
      %eq3A_381 = arith.cmpf oeq, %get3A_254, %max3A_333 : vector<16xf32>
      %select_n3A_382 = arith.select %eq3A_381, %broadcast_in_dim3A_198, %broadcast_in_dim3A_226 : vector<16xi1>, vector<16xi32>
      %min3A_383 = arith.minsi %min3A, %select_n3A_382 : vector<16xi32>
      %eq3A_384 = arith.cmpf oeq, %get3A_259, %max3A_333 : vector<16xf32>
      %select_n3A_385 = arith.select %eq3A_384, %broadcast_in_dim3A_200, %broadcast_in_dim3A_226 : vector<16xi1>, vector<16xi32>
      %min3A_386 = arith.minsi %min3A_383, %select_n3A_385 : vector<16xi32>
      %eq3A_387 = arith.cmpf oeq, %get3A_264, %max3A_333 : vector<16xf32>
      %select_n3A_388 = arith.select %eq3A_387, %broadcast_in_dim3A_202, %broadcast_in_dim3A_226 : vector<16xi1>, vector<16xi32>
      %min3A_389 = arith.minsi %min3A_386, %select_n3A_388 : vector<16xi32>
      %eq3A_390 = arith.cmpf oeq, %get3A_269, %max3A_333 : vector<16xf32>
      %select_n3A_391 = arith.select %eq3A_390, %broadcast_in_dim3A_204, %broadcast_in_dim3A_226 : vector<16xi1>, vector<16xi32>
      %min3A_392 = arith.minsi %min3A_389, %select_n3A_391 : vector<16xi32>
      %eq3A_393 = arith.cmpf oeq, %get3A_274, %max3A_333 : vector<16xf32>
      %select_n3A_394 = arith.select %eq3A_393, %broadcast_in_dim3A_206, %broadcast_in_dim3A_226 : vector<16xi1>, vector<16xi32>
      %min3A_395 = arith.minsi %min3A_392, %select_n3A_394 : vector<16xi32>
      %eq3A_396 = arith.cmpf oeq, %get3A_279, %max3A_333 : vector<16xf32>
      %select_n3A_397 = arith.select %eq3A_396, %broadcast_in_dim3A_208, %broadcast_in_dim3A_226 : vector<16xi1>, vector<16xi32>
      %min3A_398 = arith.minsi %min3A_395, %select_n3A_397 : vector<16xi32>
      %eq3A_399 = arith.cmpf oeq, %get3A_284, %max3A_333 : vector<16xf32>
      %select_n3A_400 = arith.select %eq3A_399, %broadcast_in_dim3A_210, %broadcast_in_dim3A_226 : vector<16xi1>, vector<16xi32>
      %min3A_401 = arith.minsi %min3A_398, %select_n3A_400 : vector<16xi32>
      %eq3A_402 = arith.cmpf oeq, %get3A_289, %max3A_333 : vector<16xf32>
      %select_n3A_403 = arith.select %eq3A_402, %broadcast_in_dim3A_212, %broadcast_in_dim3A_226 : vector<16xi1>, vector<16xi32>
      %min3A_404 = arith.minsi %min3A_401, %select_n3A_403 : vector<16xi32>
      %eq3A_405 = arith.cmpf oeq, %get3A_294, %max3A_333 : vector<16xf32>
      %select_n3A_406 = arith.select %eq3A_405, %broadcast_in_dim3A_214, %broadcast_in_dim3A_226 : vector<16xi1>, vector<16xi32>
      %min3A_407 = arith.minsi %min3A_404, %select_n3A_406 : vector<16xi32>
      %eq3A_408 = arith.cmpf oeq, %get3A_299, %max3A_333 : vector<16xf32>
      %select_n3A_409 = arith.select %eq3A_408, %broadcast_in_dim3A_216, %broadcast_in_dim3A_226 : vector<16xi1>, vector<16xi32>
      %min3A_410 = arith.minsi %min3A_407, %select_n3A_409 : vector<16xi32>
      %eq3A_411 = arith.cmpf oeq, %get3A_304, %max3A_333 : vector<16xf32>
      %select_n3A_412 = arith.select %eq3A_411, %broadcast_in_dim3A_218, %broadcast_in_dim3A_226 : vector<16xi1>, vector<16xi32>
      %min3A_413 = arith.minsi %min3A_410, %select_n3A_412 : vector<16xi32>
      %eq3A_414 = arith.cmpf oeq, %get3A_309, %max3A_333 : vector<16xf32>
      %select_n3A_415 = arith.select %eq3A_414, %broadcast_in_dim3A_220, %broadcast_in_dim3A_226 : vector<16xi1>, vector<16xi32>
      %min3A_416 = arith.minsi %min3A_413, %select_n3A_415 : vector<16xi32>
      %eq3A_417 = arith.cmpf oeq, %get3A_314, %max3A_333 : vector<16xf32>
      %select_n3A_418 = arith.select %eq3A_417, %broadcast_in_dim3A_222, %broadcast_in_dim3A_226 : vector<16xi1>, vector<16xi32>
      %min3A_419 = arith.minsi %min3A_416, %select_n3A_418 : vector<16xi32>
      %eq3A_420 = arith.cmpf oeq, %get3A_319, %max3A_333 : vector<16xf32>
      %select_n3A_421 = arith.select %eq3A_420, %broadcast_in_dim3A_224, %broadcast_in_dim3A_226 : vector<16xi1>, vector<16xi32>
      %min3A_422 = arith.minsi %min3A_419, %select_n3A_421 : vector<16xi32>
      %eq3A_423 = arith.cmpi eq, %min3A_422, %broadcast_in_dim3A_194 : vector<16xi32>
      %select_n3A_424 = arith.select %eq3A_423, %broadcast_in_dim3A_228, %get3A_244 : vector<16xi1>, vector<16xf32>
      %eq3A_425 = arith.cmpi eq, %min3A_422, %broadcast_in_dim3A_196 : vector<16xi32>
      %select_n3A_426 = arith.select %eq3A_425, %broadcast_in_dim3A_228, %get3A_249 : vector<16xi1>, vector<16xf32>
      %eq3A_427 = arith.cmpi eq, %min3A_422, %broadcast_in_dim3A_198 : vector<16xi32>
      %select_n3A_428 = arith.select %eq3A_427, %broadcast_in_dim3A_228, %get3A_254 : vector<16xi1>, vector<16xf32>
      %eq3A_429 = arith.cmpi eq, %min3A_422, %broadcast_in_dim3A_200 : vector<16xi32>
      %select_n3A_430 = arith.select %eq3A_429, %broadcast_in_dim3A_228, %get3A_259 : vector<16xi1>, vector<16xf32>
      %eq3A_431 = arith.cmpi eq, %min3A_422, %broadcast_in_dim3A_202 : vector<16xi32>
      %select_n3A_432 = arith.select %eq3A_431, %broadcast_in_dim3A_228, %get3A_264 : vector<16xi1>, vector<16xf32>
      %eq3A_433 = arith.cmpi eq, %min3A_422, %broadcast_in_dim3A_204 : vector<16xi32>
      %select_n3A_434 = arith.select %eq3A_433, %broadcast_in_dim3A_228, %get3A_269 : vector<16xi1>, vector<16xf32>
      %eq3A_435 = arith.cmpi eq, %min3A_422, %broadcast_in_dim3A_206 : vector<16xi32>
      %select_n3A_436 = arith.select %eq3A_435, %broadcast_in_dim3A_228, %get3A_274 : vector<16xi1>, vector<16xf32>
      %eq3A_437 = arith.cmpi eq, %min3A_422, %broadcast_in_dim3A_208 : vector<16xi32>
      %select_n3A_438 = arith.select %eq3A_437, %broadcast_in_dim3A_228, %get3A_279 : vector<16xi1>, vector<16xf32>
      %eq3A_439 = arith.cmpi eq, %min3A_422, %broadcast_in_dim3A_210 : vector<16xi32>
      %select_n3A_440 = arith.select %eq3A_439, %broadcast_in_dim3A_228, %get3A_284 : vector<16xi1>, vector<16xf32>
      %eq3A_441 = arith.cmpi eq, %min3A_422, %broadcast_in_dim3A_212 : vector<16xi32>
      %select_n3A_442 = arith.select %eq3A_441, %broadcast_in_dim3A_228, %get3A_289 : vector<16xi1>, vector<16xf32>
      %eq3A_443 = arith.cmpi eq, %min3A_422, %broadcast_in_dim3A_214 : vector<16xi32>
      %select_n3A_444 = arith.select %eq3A_443, %broadcast_in_dim3A_228, %get3A_294 : vector<16xi1>, vector<16xf32>
      %eq3A_445 = arith.cmpi eq, %min3A_422, %broadcast_in_dim3A_216 : vector<16xi32>
      %select_n3A_446 = arith.select %eq3A_445, %broadcast_in_dim3A_228, %get3A_299 : vector<16xi1>, vector<16xf32>
      %eq3A_447 = arith.cmpi eq, %min3A_422, %broadcast_in_dim3A_218 : vector<16xi32>
      %select_n3A_448 = arith.select %eq3A_447, %broadcast_in_dim3A_228, %get3A_304 : vector<16xi1>, vector<16xf32>
      %eq3A_449 = arith.cmpi eq, %min3A_422, %broadcast_in_dim3A_220 : vector<16xi32>
      %select_n3A_450 = arith.select %eq3A_449, %broadcast_in_dim3A_228, %get3A_309 : vector<16xi1>, vector<16xf32>
      %eq3A_451 = arith.cmpi eq, %min3A_422, %broadcast_in_dim3A_222 : vector<16xi32>
      %select_n3A_452 = arith.select %eq3A_451, %broadcast_in_dim3A_228, %get3A_314 : vector<16xi1>, vector<16xf32>
      %eq3A_453 = arith.cmpi eq, %min3A_422, %broadcast_in_dim3A_224 : vector<16xi32>
      %select_n3A_454 = arith.select %eq3A_453, %broadcast_in_dim3A_228, %get3A_319 : vector<16xi1>, vector<16xf32>
      %max3A_455 = arith.maximumf %select_n3A_424, %select_n3A_426 : vector<16xf32>
      %max3A_456 = arith.maximumf %max3A_455, %select_n3A_428 : vector<16xf32>
      %max3A_457 = arith.maximumf %max3A_456, %select_n3A_430 : vector<16xf32>
      %max3A_458 = arith.maximumf %max3A_457, %select_n3A_432 : vector<16xf32>
      %max3A_459 = arith.maximumf %max3A_458, %select_n3A_434 : vector<16xf32>
      %max3A_460 = arith.maximumf %max3A_459, %select_n3A_436 : vector<16xf32>
      %max3A_461 = arith.maximumf %max3A_460, %select_n3A_438 : vector<16xf32>
      %max3A_462 = arith.maximumf %max3A_461, %select_n3A_440 : vector<16xf32>
      %max3A_463 = arith.maximumf %max3A_462, %select_n3A_442 : vector<16xf32>
      %max3A_464 = arith.maximumf %max3A_463, %select_n3A_444 : vector<16xf32>
      %max3A_465 = arith.maximumf %max3A_464, %select_n3A_446 : vector<16xf32>
      %max3A_466 = arith.maximumf %max3A_465, %select_n3A_448 : vector<16xf32>
      %max3A_467 = arith.maximumf %max3A_466, %select_n3A_450 : vector<16xf32>
      %max3A_468 = arith.maximumf %max3A_467, %select_n3A_452 : vector<16xf32>
      %max3A_469 = arith.maximumf %max3A_468, %select_n3A_454 : vector<16xf32>
      %eq3A_470 = arith.cmpf oeq, %select_n3A_424, %max3A_469 : vector<16xf32>
      %select_n3A_471 = arith.select %eq3A_470, %broadcast_in_dim3A_194, %broadcast_in_dim3A_226 : vector<16xi1>, vector<16xi32>
      %eq3A_472 = arith.cmpf oeq, %select_n3A_426, %max3A_469 : vector<16xf32>
      %select_n3A_473 = arith.select %eq3A_472, %broadcast_in_dim3A_196, %broadcast_in_dim3A_226 : vector<16xi1>, vector<16xi32>
      %min3A_474 = arith.minsi %select_n3A_471, %select_n3A_473 : vector<16xi32>
      %eq3A_475 = arith.cmpf oeq, %select_n3A_428, %max3A_469 : vector<16xf32>
      %select_n3A_476 = arith.select %eq3A_475, %broadcast_in_dim3A_198, %broadcast_in_dim3A_226 : vector<16xi1>, vector<16xi32>
      %min3A_477 = arith.minsi %min3A_474, %select_n3A_476 : vector<16xi32>
      %eq3A_478 = arith.cmpf oeq, %select_n3A_430, %max3A_469 : vector<16xf32>
      %select_n3A_479 = arith.select %eq3A_478, %broadcast_in_dim3A_200, %broadcast_in_dim3A_226 : vector<16xi1>, vector<16xi32>
      %min3A_480 = arith.minsi %min3A_477, %select_n3A_479 : vector<16xi32>
      %eq3A_481 = arith.cmpf oeq, %select_n3A_432, %max3A_469 : vector<16xf32>
      %select_n3A_482 = arith.select %eq3A_481, %broadcast_in_dim3A_202, %broadcast_in_dim3A_226 : vector<16xi1>, vector<16xi32>
      %min3A_483 = arith.minsi %min3A_480, %select_n3A_482 : vector<16xi32>
      %eq3A_484 = arith.cmpf oeq, %select_n3A_434, %max3A_469 : vector<16xf32>
      %select_n3A_485 = arith.select %eq3A_484, %broadcast_in_dim3A_204, %broadcast_in_dim3A_226 : vector<16xi1>, vector<16xi32>
      %min3A_486 = arith.minsi %min3A_483, %select_n3A_485 : vector<16xi32>
      %eq3A_487 = arith.cmpf oeq, %select_n3A_436, %max3A_469 : vector<16xf32>
      %select_n3A_488 = arith.select %eq3A_487, %broadcast_in_dim3A_206, %broadcast_in_dim3A_226 : vector<16xi1>, vector<16xi32>
      %min3A_489 = arith.minsi %min3A_486, %select_n3A_488 : vector<16xi32>
      %eq3A_490 = arith.cmpf oeq, %select_n3A_438, %max3A_469 : vector<16xf32>
      %select_n3A_491 = arith.select %eq3A_490, %broadcast_in_dim3A_208, %broadcast_in_dim3A_226 : vector<16xi1>, vector<16xi32>
      %min3A_492 = arith.minsi %min3A_489, %select_n3A_491 : vector<16xi32>
      %eq3A_493 = arith.cmpf oeq, %select_n3A_440, %max3A_469 : vector<16xf32>
      %select_n3A_494 = arith.select %eq3A_493, %broadcast_in_dim3A_210, %broadcast_in_dim3A_226 : vector<16xi1>, vector<16xi32>
      %min3A_495 = arith.minsi %min3A_492, %select_n3A_494 : vector<16xi32>
      %eq3A_496 = arith.cmpf oeq, %select_n3A_442, %max3A_469 : vector<16xf32>
      %select_n3A_497 = arith.select %eq3A_496, %broadcast_in_dim3A_212, %broadcast_in_dim3A_226 : vector<16xi1>, vector<16xi32>
      %min3A_498 = arith.minsi %min3A_495, %select_n3A_497 : vector<16xi32>
      %eq3A_499 = arith.cmpf oeq, %select_n3A_444, %max3A_469 : vector<16xf32>
      %select_n3A_500 = arith.select %eq3A_499, %broadcast_in_dim3A_214, %broadcast_in_dim3A_226 : vector<16xi1>, vector<16xi32>
      %min3A_501 = arith.minsi %min3A_498, %select_n3A_500 : vector<16xi32>
      %eq3A_502 = arith.cmpf oeq, %select_n3A_446, %max3A_469 : vector<16xf32>
      %select_n3A_503 = arith.select %eq3A_502, %broadcast_in_dim3A_216, %broadcast_in_dim3A_226 : vector<16xi1>, vector<16xi32>
      %min3A_504 = arith.minsi %min3A_501, %select_n3A_503 : vector<16xi32>
      %eq3A_505 = arith.cmpf oeq, %select_n3A_448, %max3A_469 : vector<16xf32>
      %select_n3A_506 = arith.select %eq3A_505, %broadcast_in_dim3A_218, %broadcast_in_dim3A_226 : vector<16xi1>, vector<16xi32>
      %min3A_507 = arith.minsi %min3A_504, %select_n3A_506 : vector<16xi32>
      %eq3A_508 = arith.cmpf oeq, %select_n3A_450, %max3A_469 : vector<16xf32>
      %select_n3A_509 = arith.select %eq3A_508, %broadcast_in_dim3A_220, %broadcast_in_dim3A_226 : vector<16xi1>, vector<16xi32>
      %min3A_510 = arith.minsi %min3A_507, %select_n3A_509 : vector<16xi32>
      %eq3A_511 = arith.cmpf oeq, %select_n3A_452, %max3A_469 : vector<16xf32>
      %select_n3A_512 = arith.select %eq3A_511, %broadcast_in_dim3A_222, %broadcast_in_dim3A_226 : vector<16xi1>, vector<16xi32>
      %min3A_513 = arith.minsi %min3A_510, %select_n3A_512 : vector<16xi32>
      %eq3A_514 = arith.cmpf oeq, %select_n3A_454, %max3A_469 : vector<16xf32>
      %select_n3A_515 = arith.select %eq3A_514, %broadcast_in_dim3A_224, %broadcast_in_dim3A_226 : vector<16xi1>, vector<16xi32>
      %min3A_516 = arith.minsi %min3A_513, %select_n3A_515 : vector<16xi32>
      %sub3A_517 = arith.subf %max3A_469, %max3A_333 : vector<16xf32>
      %exp3A_518 = math.exp %sub3A_517 : vector<16xf32>
      %add3A_519 = arith.addf %broadcast_in_dim3A_230, %exp3A_518 : vector<16xf32>
      %div3A_520 = arith.divf %broadcast_in_dim3A_230, %add3A_519 : vector<16xf32>
      %swap3A_521 = arith.constant 0 : i32
      %swap3A_522 = arith.index_cast %swap3A_521 : i32 to index
      %swap3A_523 = arith.index_cast %mul3A_240 : i32 to index
      %swap3A_524 = tpu.vector_load %arg8[%swap3A_522, %swap3A_523] {strides = array<i32>} : memref<2x512xf32, #tpu.memory_space<vmem>>, vector<1x16xf32>,
      %swap3A_525 = vector.shape_cast %swap3A_524 : vector<1x16xf32> to vector<16xf32>
      %swap3A_526 = vector.shape_cast %div3A_520 : vector<16xf32> to vector<1x16xf32>
      tpu.vector_store %arg8[%swap3A_522, %swap3A_523], %swap3A_526 {strides = array<i32>} : memref<2x512xf32, #tpu.memory_space<vmem>>, vector<1x16xf32>,
      %sub3A_527 = arith.subf %broadcast_in_dim3A_230, %div3A_520 : vector<16xf32>
      %swap3A_528 = arith.constant 1 : i32
      %swap3A_529 = arith.index_cast %swap3A_528 : i32 to index
      %swap3A_530 = arith.index_cast %mul3A_240 : i32 to index
      %swap3A_531 = tpu.vector_load %arg8[%swap3A_529, %swap3A_530] {strides = array<i32>} : memref<2x512xf32, #tpu.memory_space<vmem>>, vector<1x16xf32>,
      %swap3A_532 = vector.shape_cast %swap3A_531 : vector<1x16xf32> to vector<16xf32>
      %swap3A_533 = vector.shape_cast %sub3A_527 : vector<16xf32> to vector<1x16xf32>
      tpu.vector_store %arg8[%swap3A_529, %swap3A_530], %swap3A_533 {strides = array<i32>} : memref<2x512xf32, #tpu.memory_space<vmem>>, vector<1x16xf32>,
      %swap3A_534 = arith.constant 0 : i32
      %swap3A_535 = arith.index_cast %swap3A_534 : i32 to index
      %swap3A_536 = arith.index_cast %mul3A_240 : i32 to index
      %swap3A_537 = tpu.vector_load %arg9[%swap3A_535, %swap3A_536] {strides = array<i32>} : memref<2x512xi32, #tpu.memory_space<vmem>>, vector<1x16xi32>,
      %swap3A_538 = vector.shape_cast %swap3A_537 : vector<1x16xi32> to vector<16xi32>
      %swap3A_539 = vector.shape_cast %min3A_422 : vector<16xi32> to vector<1x16xi32>
      tpu.vector_store %arg9[%swap3A_535, %swap3A_536], %swap3A_539 {strides = array<i32>} : memref<2x512xi32, #tpu.memory_space<vmem>>, vector<1x16xi32>,
      %swap3A_540 = arith.constant 1 : i32
      %swap3A_541 = arith.index_cast %swap3A_540 : i32 to index
      %swap3A_542 = arith.index_cast %mul3A_240 : i32 to index
      %swap3A_543 = tpu.vector_load %arg9[%swap3A_541, %swap3A_542] {strides = array<i32>} : memref<2x512xi32, #tpu.memory_space<vmem>>, vector<1x16xi32>,
      %swap3A_544 = vector.shape_cast %swap3A_543 : vector<1x16xi32> to vector<16xi32>
      %swap3A_545 = vector.shape_cast %min3A_516 : vector<16xi32> to vector<1x16xi32>
      tpu.vector_store %arg9[%swap3A_541, %swap3A_542], %swap3A_545 {strides = array<i32>} : memref<2x512xi32, #tpu.memory_space<vmem>>, vector<1x16xi32>,
      %get3A_546 = arith.constant 0 : i32
      %get3A_547 = arith.index_cast %get3A_546 : i32 to index
      %get3A_548 = arith.constant 0 : index
      %get3A_549 = tpu.vector_load %arg10[%get3A_547, %get3A_548] {strides = array<i32>} : memref<16x16xf32, #tpu.memory_space<vmem>>, vector<1x16xf32>,
      %get3A_550 = vector.shape_cast %get3A_549 : vector<1x16xf32> to vector<16xf32>
      %mul3A_551 = arith.mulf %exp3A, %div3A : vector<16xf32>
      %add3A_552 = arith.addf %get3A_550, %mul3A_551 : vector<16xf32>
      %swap3A_553 = arith.constant 0 : i32
      %swap3A_554 = arith.index_cast %swap3A_553 : i32 to index
      %swap3A_555 = arith.constant 0 : index
      %swap3A_556 = tpu.vector_load %arg10[%swap3A_554, %swap3A_555] {strides = array<i32>} : memref<16x16xf32, #tpu.memory_space<vmem>>, vector<1x16xf32>,
      %swap3A_557 = vector.shape_cast %swap3A_556 : vector<1x16xf32> to vector<16xf32>
      %swap3A_558 = vector.shape_cast %add3A_552 : vector<16xf32> to vector<1x16xf32>
      tpu.vector_store %arg10[%swap3A_554, %swap3A_555], %swap3A_558 {strides = array<i32>} : memref<16x16xf32, #tpu.memory_space<vmem>>, vector<1x16xf32>,
      %eq3A_559 = arith.cmpi eq, %min3A_422, %broadcast_in_dim3A_194 : vector<16xi32>
      %select_n3A_560 = arith.select %eq3A_559, %broadcast_in_dim3A_230, %broadcast_in_dim3A_1 : vector<16xi1>, vector<16xf32>
      %eq3A_561 = arith.cmpi eq, %min3A_516, %broadcast_in_dim3A_194 : vector<16xi32>
      %select_n3A_562 = arith.select %eq3A_561, %broadcast_in_dim3A_230, %broadcast_in_dim3A_1 : vector<16xi1>, vector<16xf32>
      %get3A_563 = arith.constant 0 : i32
      %get3A_564 = arith.index_cast %get3A_563 : i32 to index
      %get3A_565 = arith.constant 0 : index
      %get3A_566 = tpu.vector_load %arg11[%get3A_564, %get3A_565] {strides = array<i32>} : memref<16x16xf32, #tpu.memory_space<vmem>>, vector<1x16xf32>,
      %get3A_567 = vector.shape_cast %get3A_566 : vector<1x16xf32> to vector<16xf32>
      %add3A_568 = arith.addf %get3A_567, %select_n3A_560 : vector<16xf32>
      %add3A_569 = arith.addf %add3A_568, %select_n3A_562 : vector<16xf32>
      %swap3A_570 = arith.constant 0 : i32
      %swap3A_571 = arith.index_cast %swap3A_570 : i32 to index
      %swap3A_572 = arith.constant 0 : index
      %swap3A_573 = tpu.vector_load %arg11[%swap3A_571, %swap3A_572] {strides = array<i32>} : memref<16x16xf32, #tpu.memory_space<vmem>>, vector<1x16xf32>,
      %swap3A_574 = vector.shape_cast %swap3A_573 : vector<1x16xf32> to vector<16xf32>
      %swap3A_575 = vector.shape_cast %add3A_569 : vector<16xf32> to vector<1x16xf32>
      tpu.vector_store %arg11[%swap3A_571, %swap3A_572], %swap3A_575 {strides = array<i32>} : memref<16x16xf32, #tpu.memory_space<vmem>>, vector<1x16xf32>,
      %get3A_576 = arith.constant 1 : i32
      %get3A_577 = arith.index_cast %get3A_576 : i32 to index
      %get3A_578 = arith.constant 0 : index
      %get3A_579 = tpu.vector_load %arg10[%get3A_577, %get3A_578] {strides = array<i32>} : memref<16x16xf32, #tpu.memory_space<vmem>>, vector<1x16xf32>,
      %get3A_580 = vector.shape_cast %get3A_579 : vector<1x16xf32> to vector<16xf32>
      %mul3A_581 = arith.mulf %exp3A_335, %div3A : vector<16xf32>
      %add3A_582 = arith.addf %get3A_580, %mul3A_581 : vector<16xf32>
      %swap3A_583 = arith.constant 1 : i32
      %swap3A_584 = arith.index_cast %swap3A_583 : i32 to index
      %swap3A_585 = arith.constant 0 : index
      %swap3A_586 = tpu.vector_load %arg10[%swap3A_584, %swap3A_585] {strides = array<i32>} : memref<16x16xf32, #tpu.memory_space<vmem>>, vector<1x16xf32>,
      %swap3A_587 = vector.shape_cast %swap3A_586 : vector<1x16xf32> to vector<16xf32>
      %swap3A_588 = vector.shape_cast %add3A_582 : vector<16xf32> to vector<1x16xf32>
      tpu.vector_store %arg10[%swap3A_584, %swap3A_585], %swap3A_588 {strides = array<i32>} : memref<16x16xf32, #tpu.memory_space<vmem>>, vector<1x16xf32>,
      %eq3A_589 = arith.cmpi eq, %min3A_422, %broadcast_in_dim3A_196 : vector<16xi32>
      %select_n3A_590 = arith.select %eq3A_589, %broadcast_in_dim3A_230, %broadcast_in_dim3A_1 : vector<16xi1>, vector<16xf32>
      %eq3A_591 = arith.cmpi eq, %min3A_516, %broadcast_in_dim3A_196 : vector<16xi32>
      %select_n3A_592 = arith.select %eq3A_591, %broadcast_in_dim3A_230, %broadcast_in_dim3A_1 : vector<16xi1>, vector<16xf32>
      %get3A_593 = arith.constant 1 : i32
      %get3A_594 = arith.index_cast %get3A_593 : i32 to index
      %get3A_595 = arith.constant 0 : index
      %get3A_596 = tpu.vector_load %arg11[%get3A_594, %get3A_595] {strides = array<i32>} : memref<16x16xf32, #tpu.memory_space<vmem>>, vector<1x16xf32>,
      %get3A_597 = vector.shape_cast %get3A_596 : vector<1x16xf32> to vector<16xf32>
      %add3A_598 = arith.addf %get3A_597, %select_n3A_590 : vector<16xf32>
      %add3A_599 = arith.addf %add3A_598, %select_n3A_592 : vector<16xf32>
      %swap3A_600 = arith.constant 1 : i32
      %swap3A_601 = arith.index_cast %swap3A_600 : i32 to index
      %swap3A_602 = arith.constant 0 : index
      %swap3A_603 = tpu.vector_load %arg11[%swap3A_601, %swap3A_602] {strides = array<i32>} : memref<16x16xf32, #tpu.memory_space<vmem>>, vector<1x16xf32>,
      %swap3A_604 = vector.shape_cast %swap3A_603 : vector<1x16xf32> to vector<16xf32>
      %swap3A_605 = vector.shape_cast %add3A_599 : vector<16xf32> to vector<1x16xf32>
      tpu.vector_store %arg11[%swap3A_601, %swap3A_602], %swap3A_605 {strides = array<i32>} : memref<16x16xf32, #tpu.memory_space<vmem>>, vector<1x16xf32>,
      %get3A_606 = arith.constant 2 : i32
      %get3A_607 = arith.index_cast %get3A_606 : i32 to index
      %get3A_608 = arith.constant 0 : index
      %get3A_609 = tpu.vector_load %arg10[%get3A_607, %get3A_608] {strides = array<i32>} : memref<16x16xf32, #tpu.memory_space<vmem>>, vector<1x16xf32>,
      %get3A_610 = vector.shape_cast %get3A_609 : vector<1x16xf32> to vector<16xf32>
      %mul3A_611 = arith.mulf %exp3A_337, %div3A : vector<16xf32>
      %add3A_612 = arith.addf %get3A_610, %mul3A_611 : vector<16xf32>
      %swap3A_613 = arith.constant 2 : i32
      %swap3A_614 = arith.index_cast %swap3A_613 : i32 to index
      %swap3A_615 = arith.constant 0 : index
      %swap3A_616 = tpu.vector_load %arg10[%swap3A_614, %swap3A_615] {strides = array<i32>} : memref<16x16xf32, #tpu.memory_space<vmem>>, vector<1x16xf32>,
      %swap3A_617 = vector.shape_cast %swap3A_616 : vector<1x16xf32> to vector<16xf32>
      %swap3A_618 = vector.shape_cast %add3A_612 : vector<16xf32> to vector<1x16xf32>
      tpu.vector_store %arg10[%swap3A_614, %swap3A_615], %swap3A_618 {strides = array<i32>} : memref<16x16xf32, #tpu.memory_space<vmem>>, vector<1x16xf32>,
      %eq3A_619 = arith.cmpi eq, %min3A_422, %broadcast_in_dim3A_198 : vector<16xi32>
      %select_n3A_620 = arith.select %eq3A_619, %broadcast_in_dim3A_230, %broadcast_in_dim3A_1 : vector<16xi1>, vector<16xf32>
      %eq3A_621 = arith.cmpi eq, %min3A_516, %broadcast_in_dim3A_198 : vector<16xi32>
      %select_n3A_622 = arith.select %eq3A_621, %broadcast_in_dim3A_230, %broadcast_in_dim3A_1 : vector<16xi1>, vector<16xf32>
      %get3A_623 = arith.constant 2 : i32
      %get3A_624 = arith.index_cast %get3A_623 : i32 to index
      %get3A_625 = arith.constant 0 : index
      %get3A_626 = tpu.vector_load %arg11[%get3A_624, %get3A_625] {strides = array<i32>} : memref<16x16xf32, #tpu.memory_space<vmem>>, vector<1x16xf32>,
      %get3A_627 = vector.shape_cast %get3A_626 : vector<1x16xf32> to vector<16xf32>
      %add3A_628 = arith.addf %get3A_627, %select_n3A_620 : vector<16xf32>
      %add3A_629 = arith.addf %add3A_628, %select_n3A_622 : vector<16xf32>
      %swap3A_630 = arith.constant 2 : i32
      %swap3A_631 = arith.index_cast %swap3A_630 : i32 to index
      %swap3A_632 = arith.constant 0 : index
      %swap3A_633 = tpu.vector_load %arg11[%swap3A_631, %swap3A_632] {strides = array<i32>} : memref<16x16xf32, #tpu.memory_space<vmem>>, vector<1x16xf32>,
      %swap3A_634 = vector.shape_cast %swap3A_633 : vector<1x16xf32> to vector<16xf32>
      %swap3A_635 = vector.shape_cast %add3A_629 : vector<16xf32> to vector<1x16xf32>
      tpu.vector_store %arg11[%swap3A_631, %swap3A_632], %swap3A_635 {strides = array<i32>} : memref<16x16xf32, #tpu.memory_space<vmem>>, vector<1x16xf32>,
      %get3A_636 = arith.constant 3 : i32
      %get3A_637 = arith.index_cast %get3A_636 : i32 to index
      %get3A_638 = arith.constant 0 : index
      %get3A_639 = tpu.vector_load %arg10[%get3A_637, %get3A_638] {strides = array<i32>} : memref<16x16xf32, #tpu.memory_space<vmem>>, vector<1x16xf32>,
      %get3A_640 = vector.shape_cast %get3A_639 : vector<1x16xf32> to vector<16xf32>
      %mul3A_641 = arith.mulf %exp3A_339, %div3A : vector<16xf32>
      %add3A_642 = arith.addf %get3A_640, %mul3A_641 : vector<16xf32>
      %swap3A_643 = arith.constant 3 : i32
      %swap3A_644 = arith.index_cast %swap3A_643 : i32 to index
      %swap3A_645 = arith.constant 0 : index
      %swap3A_646 = tpu.vector_load %arg10[%swap3A_644, %swap3A_645] {strides = array<i32>} : memref<16x16xf32, #tpu.memory_space<vmem>>, vector<1x16xf32>,
      %swap3A_647 = vector.shape_cast %swap3A_646 : vector<1x16xf32> to vector<16xf32>
      %swap3A_648 = vector.shape_cast %add3A_642 : vector<16xf32> to vector<1x16xf32>
      tpu.vector_store %arg10[%swap3A_644, %swap3A_645], %swap3A_648 {strides = array<i32>} : memref<16x16xf32, #tpu.memory_space<vmem>>, vector<1x16xf32>,
      %eq3A_649 = arith.cmpi eq, %min3A_422, %broadcast_in_dim3A_200 : vector<16xi32>
      %select_n3A_650 = arith.select %eq3A_649, %broadcast_in_dim3A_230, %broadcast_in_dim3A_1 : vector<16xi1>, vector<16xf32>
      %eq3A_651 = arith.cmpi eq, %min3A_516, %broadcast_in_dim3A_200 : vector<16xi32>
      %select_n3A_652 = arith.select %eq3A_651, %broadcast_in_dim3A_230, %broadcast_in_dim3A_1 : vector<16xi1>, vector<16xf32>
      %get3A_653 = arith.constant 3 : i32
      %get3A_654 = arith.index_cast %get3A_653 : i32 to index
      %get3A_655 = arith.constant 0 : index
      %get3A_656 = tpu.vector_load %arg11[%get3A_654, %get3A_655] {strides = array<i32>} : memref<16x16xf32, #tpu.memory_space<vmem>>, vector<1x16xf32>,
      %get3A_657 = vector.shape_cast %get3A_656 : vector<1x16xf32> to vector<16xf32>
      %add3A_658 = arith.addf %get3A_657, %select_n3A_650 : vector<16xf32>
      %add3A_659 = arith.addf %add3A_658, %select_n3A_652 : vector<16xf32>
      %swap3A_660 = arith.constant 3 : i32
      %swap3A_661 = arith.index_cast %swap3A_660 : i32 to index
      %swap3A_662 = arith.constant 0 : index
      %swap3A_663 = tpu.vector_load %arg11[%swap3A_661, %swap3A_662] {strides = array<i32>} : memref<16x16xf32, #tpu.memory_space<vmem>>, vector<1x16xf32>,
      %swap3A_664 = vector.shape_cast %swap3A_663 : vector<1x16xf32> to vector<16xf32>
      %swap3A_665 = vector.shape_cast %add3A_659 : vector<16xf32> to vector<1x16xf32>
      tpu.vector_store %arg11[%swap3A_661, %swap3A_662], %swap3A_665 {strides = array<i32>} : memref<16x16xf32, #tpu.memory_space<vmem>>, vector<1x16xf32>,
      %get3A_666 = arith.constant 4 : i32
      %get3A_667 = arith.index_cast %get3A_666 : i32 to index
      %get3A_668 = arith.constant 0 : index
      %get3A_669 = tpu.vector_load %arg10[%get3A_667, %get3A_668] {strides = array<i32>} : memref<16x16xf32, #tpu.memory_space<vmem>>, vector<1x16xf32>,
      %get3A_670 = vector.shape_cast %get3A_669 : vector<1x16xf32> to vector<16xf32>
      %mul3A_671 = arith.mulf %exp3A_341, %div3A : vector<16xf32>
      %add3A_672 = arith.addf %get3A_670, %mul3A_671 : vector<16xf32>
      %swap3A_673 = arith.constant 4 : i32
      %swap3A_674 = arith.index_cast %swap3A_673 : i32 to index
      %swap3A_675 = arith.constant 0 : index
      %swap3A_676 = tpu.vector_load %arg10[%swap3A_674, %swap3A_675] {strides = array<i32>} : memref<16x16xf32, #tpu.memory_space<vmem>>, vector<1x16xf32>,
      %swap3A_677 = vector.shape_cast %swap3A_676 : vector<1x16xf32> to vector<16xf32>
      %swap3A_678 = vector.shape_cast %add3A_672 : vector<16xf32> to vector<1x16xf32>
      tpu.vector_store %arg10[%swap3A_674, %swap3A_675], %swap3A_678 {strides = array<i32>} : memref<16x16xf32, #tpu.memory_space<vmem>>, vector<1x16xf32>,
      %eq3A_679 = arith.cmpi eq, %min3A_422, %broadcast_in_dim3A_202 : vector<16xi32>
      %select_n3A_680 = arith.select %eq3A_679, %broadcast_in_dim3A_230, %broadcast_in_dim3A_1 : vector<16xi1>, vector<16xf32>
      %eq3A_681 = arith.cmpi eq, %min3A_516, %broadcast_in_dim3A_202 : vector<16xi32>
      %select_n3A_682 = arith.select %eq3A_681, %broadcast_in_dim3A_230, %broadcast_in_dim3A_1 : vector<16xi1>, vector<16xf32>
      %get3A_683 = arith.constant 4 : i32
      %get3A_684 = arith.index_cast %get3A_683 : i32 to index
      %get3A_685 = arith.constant 0 : index
      %get3A_686 = tpu.vector_load %arg11[%get3A_684, %get3A_685] {strides = array<i32>} : memref<16x16xf32, #tpu.memory_space<vmem>>, vector<1x16xf32>,
      %get3A_687 = vector.shape_cast %get3A_686 : vector<1x16xf32> to vector<16xf32>
      %add3A_688 = arith.addf %get3A_687, %select_n3A_680 : vector<16xf32>
      %add3A_689 = arith.addf %add3A_688, %select_n3A_682 : vector<16xf32>
      %swap3A_690 = arith.constant 4 : i32
      %swap3A_691 = arith.index_cast %swap3A_690 : i32 to index
      %swap3A_692 = arith.constant 0 : index
      %swap3A_693 = tpu.vector_load %arg11[%swap3A_691, %swap3A_692] {strides = array<i32>} : memref<16x16xf32, #tpu.memory_space<vmem>>, vector<1x16xf32>,
      %swap3A_694 = vector.shape_cast %swap3A_693 : vector<1x16xf32> to vector<16xf32>
      %swap3A_695 = vector.shape_cast %add3A_689 : vector<16xf32> to vector<1x16xf32>
      tpu.vector_store %arg11[%swap3A_691, %swap3A_692], %swap3A_695 {strides = array<i32>} : memref<16x16xf32, #tpu.memory_space<vmem>>, vector<1x16xf32>,
      %get3A_696 = arith.constant 5 : i32
      %get3A_697 = arith.index_cast %get3A_696 : i32 to index
      %get3A_698 = arith.constant 0 : index
      %get3A_699 = tpu.vector_load %arg10[%get3A_697, %get3A_698] {strides = array<i32>} : memref<16x16xf32, #tpu.memory_space<vmem>>, vector<1x16xf32>,
      %get3A_700 = vector.shape_cast %get3A_699 : vector<1x16xf32> to vector<16xf32>
      %mul3A_701 = arith.mulf %exp3A_343, %div3A : vector<16xf32>
      %add3A_702 = arith.addf %get3A_700, %mul3A_701 : vector<16xf32>
      %swap3A_703 = arith.constant 5 : i32
      %swap3A_704 = arith.index_cast %swap3A_703 : i32 to index
      %swap3A_705 = arith.constant 0 : index
      %swap3A_706 = tpu.vector_load %arg10[%swap3A_704, %swap3A_705] {strides = array<i32>} : memref<16x16xf32, #tpu.memory_space<vmem>>, vector<1x16xf32>,
      %swap3A_707 = vector.shape_cast %swap3A_706 : vector<1x16xf32> to vector<16xf32>
      %swap3A_708 = vector.shape_cast %add3A_702 : vector<16xf32> to vector<1x16xf32>
      tpu.vector_store %arg10[%swap3A_704, %swap3A_705], %swap3A_708 {strides = array<i32>} : memref<16x16xf32, #tpu.memory_space<vmem>>, vector<1x16xf32>,
      %eq3A_709 = arith.cmpi eq, %min3A_422, %broadcast_in_dim3A_204 : vector<16xi32>
      %select_n3A_710 = arith.select %eq3A_709, %broadcast_in_dim3A_230, %broadcast_in_dim3A_1 : vector<16xi1>, vector<16xf32>
      %eq3A_711 = arith.cmpi eq, %min3A_516, %broadcast_in_dim3A_204 : vector<16xi32>
      %select_n3A_712 = arith.select %eq3A_711, %broadcast_in_dim3A_230, %broadcast_in_dim3A_1 : vector<16xi1>, vector<16xf32>
      %get3A_713 = arith.constant 5 : i32
      %get3A_714 = arith.index_cast %get3A_713 : i32 to index
      %get3A_715 = arith.constant 0 : index
      %get3A_716 = tpu.vector_load %arg11[%get3A_714, %get3A_715] {strides = array<i32>} : memref<16x16xf32, #tpu.memory_space<vmem>>, vector<1x16xf32>,
      %get3A_717 = vector.shape_cast %get3A_716 : vector<1x16xf32> to vector<16xf32>
      %add3A_718 = arith.addf %get3A_717, %select_n3A_710 : vector<16xf32>
      %add3A_719 = arith.addf %add3A_718, %select_n3A_712 : vector<16xf32>
      %swap3A_720 = arith.constant 5 : i32
      %swap3A_721 = arith.index_cast %swap3A_720 : i32 to index
      %swap3A_722 = arith.constant 0 : index
      %swap3A_723 = tpu.vector_load %arg11[%swap3A_721, %swap3A_722] {strides = array<i32>} : memref<16x16xf32, #tpu.memory_space<vmem>>, vector<1x16xf32>,
      %swap3A_724 = vector.shape_cast %swap3A_723 : vector<1x16xf32> to vector<16xf32>
      %swap3A_725 = vector.shape_cast %add3A_719 : vector<16xf32> to vector<1x16xf32>
      tpu.vector_store %arg11[%swap3A_721, %swap3A_722], %swap3A_725 {strides = array<i32>} : memref<16x16xf32, #tpu.memory_space<vmem>>, vector<1x16xf32>,
      %get3A_726 = arith.constant 6 : i32
      %get3A_727 = arith.index_cast %get3A_726 : i32 to index
      %get3A_728 = arith.constant 0 : index
      %get3A_729 = tpu.vector_load %arg10[%get3A_727, %get3A_728] {strides = array<i32>} : memref<16x16xf32, #tpu.memory_space<vmem>>, vector<1x16xf32>,
      %get3A_730 = vector.shape_cast %get3A_729 : vector<1x16xf32> to vector<16xf32>
      %mul3A_731 = arith.mulf %exp3A_345, %div3A : vector<16xf32>
      %add3A_732 = arith.addf %get3A_730, %mul3A_731 : vector<16xf32>
      %swap3A_733 = arith.constant 6 : i32
      %swap3A_734 = arith.index_cast %swap3A_733 : i32 to index
      %swap3A_735 = arith.constant 0 : index
      %swap3A_736 = tpu.vector_load %arg10[%swap3A_734, %swap3A_735] {strides = array<i32>} : memref<16x16xf32, #tpu.memory_space<vmem>>, vector<1x16xf32>,
      %swap3A_737 = vector.shape_cast %swap3A_736 : vector<1x16xf32> to vector<16xf32>
      %swap3A_738 = vector.shape_cast %add3A_732 : vector<16xf32> to vector<1x16xf32>
      tpu.vector_store %arg10[%swap3A_734, %swap3A_735], %swap3A_738 {strides = array<i32>} : memref<16x16xf32, #tpu.memory_space<vmem>>, vector<1x16xf32>,
      %eq3A_739 = arith.cmpi eq, %min3A_422, %broadcast_in_dim3A_206 : vector<16xi32>
      %select_n3A_740 = arith.select %eq3A_739, %broadcast_in_dim3A_230, %broadcast_in_dim3A_1 : vector<16xi1>, vector<16xf32>
      %eq3A_741 = arith.cmpi eq, %min3A_516, %broadcast_in_dim3A_206 : vector<16xi32>
      %select_n3A_742 = arith.select %eq3A_741, %broadcast_in_dim3A_230, %broadcast_in_dim3A_1 : vector<16xi1>, vector<16xf32>
      %get3A_743 = arith.constant 6 : i32
      %get3A_744 = arith.index_cast %get3A_743 : i32 to index
      %get3A_745 = arith.constant 0 : index
      %get3A_746 = tpu.vector_load %arg11[%get3A_744, %get3A_745] {strides = array<i32>} : memref<16x16xf32, #tpu.memory_space<vmem>>, vector<1x16xf32>,
      %get3A_747 = vector.shape_cast %get3A_746 : vector<1x16xf32> to vector<16xf32>
      %add3A_748 = arith.addf %get3A_747, %select_n3A_740 : vector<16xf32>
      %add3A_749 = arith.addf %add3A_748, %select_n3A_742 : vector<16xf32>
      %swap3A_750 = arith.constant 6 : i32
      %swap3A_751 = arith.index_cast %swap3A_750 : i32 to index
      %swap3A_752 = arith.constant 0 : index
      %swap3A_753 = tpu.vector_load %arg11[%swap3A_751, %swap3A_752] {strides = array<i32>} : memref<16x16xf32, #tpu.memory_space<vmem>>, vector<1x16xf32>,
      %swap3A_754 = vector.shape_cast %swap3A_753 : vector<1x16xf32> to vector<16xf32>
      %swap3A_755 = vector.shape_cast %add3A_749 : vector<16xf32> to vector<1x16xf32>
      tpu.vector_store %arg11[%swap3A_751, %swap3A_752], %swap3A_755 {strides = array<i32>} : memref<16x16xf32, #tpu.memory_space<vmem>>, vector<1x16xf32>,
      %get3A_756 = arith.constant 7 : i32
      %get3A_757 = arith.index_cast %get3A_756 : i32 to index
      %get3A_758 = arith.constant 0 : index
      %get3A_759 = tpu.vector_load %arg10[%get3A_757, %get3A_758] {strides = array<i32>} : memref<16x16xf32, #tpu.memory_space<vmem>>, vector<1x16xf32>,
      %get3A_760 = vector.shape_cast %get3A_759 : vector<1x16xf32> to vector<16xf32>
      %mul3A_761 = arith.mulf %exp3A_347, %div3A : vector<16xf32>
      %add3A_762 = arith.addf %get3A_760, %mul3A_761 : vector<16xf32>
      %swap3A_763 = arith.constant 7 : i32
      %swap3A_764 = arith.index_cast %swap3A_763 : i32 to index
      %swap3A_765 = arith.constant 0 : index
      %swap3A_766 = tpu.vector_load %arg10[%swap3A_764, %swap3A_765] {strides = array<i32>} : memref<16x16xf32, #tpu.memory_space<vmem>>, vector<1x16xf32>,
      %swap3A_767 = vector.shape_cast %swap3A_766 : vector<1x16xf32> to vector<16xf32>
      %swap3A_768 = vector.shape_cast %add3A_762 : vector<16xf32> to vector<1x16xf32>
      tpu.vector_store %arg10[%swap3A_764, %swap3A_765], %swap3A_768 {strides = array<i32>} : memref<16x16xf32, #tpu.memory_space<vmem>>, vector<1x16xf32>,
      %eq3A_769 = arith.cmpi eq, %min3A_422, %broadcast_in_dim3A_208 : vector<16xi32>
      %select_n3A_770 = arith.select %eq3A_769, %broadcast_in_dim3A_230, %broadcast_in_dim3A_1 : vector<16xi1>, vector<16xf32>
      %eq3A_771 = arith.cmpi eq, %min3A_516, %broadcast_in_dim3A_208 : vector<16xi32>
      %select_n3A_772 = arith.select %eq3A_771, %broadcast_in_dim3A_230, %broadcast_in_dim3A_1 : vector<16xi1>, vector<16xf32>
      %get3A_773 = arith.constant 7 : i32
      %get3A_774 = arith.index_cast %get3A_773 : i32 to index
      %get3A_775 = arith.constant 0 : index
      %get3A_776 = tpu.vector_load %arg11[%get3A_774, %get3A_775] {strides = array<i32>} : memref<16x16xf32, #tpu.memory_space<vmem>>, vector<1x16xf32>,
      %get3A_777 = vector.shape_cast %get3A_776 : vector<1x16xf32> to vector<16xf32>
      %add3A_778 = arith.addf %get3A_777, %select_n3A_770 : vector<16xf32>
      %add3A_779 = arith.addf %add3A_778, %select_n3A_772 : vector<16xf32>
      %swap3A_780 = arith.constant 7 : i32
      %swap3A_781 = arith.index_cast %swap3A_780 : i32 to index
      %swap3A_782 = arith.constant 0 : index
      %swap3A_783 = tpu.vector_load %arg11[%swap3A_781, %swap3A_782] {strides = array<i32>} : memref<16x16xf32, #tpu.memory_space<vmem>>, vector<1x16xf32>,
      %swap3A_784 = vector.shape_cast %swap3A_783 : vector<1x16xf32> to vector<16xf32>
      %swap3A_785 = vector.shape_cast %add3A_779 : vector<16xf32> to vector<1x16xf32>
      tpu.vector_store %arg11[%swap3A_781, %swap3A_782], %swap3A_785 {strides = array<i32>} : memref<16x16xf32, #tpu.memory_space<vmem>>, vector<1x16xf32>,
      %get3A_786 = arith.constant 8 : i32
      %get3A_787 = arith.index_cast %get3A_786 : i32 to index
      %get3A_788 = arith.constant 0 : index
      %get3A_789 = tpu.vector_load %arg10[%get3A_787, %get3A_788] {strides = array<i32>} : memref<16x16xf32, #tpu.memory_space<vmem>>, vector<1x16xf32>,
      %get3A_790 = vector.shape_cast %get3A_789 : vector<1x16xf32> to vector<16xf32>
      %mul3A_791 = arith.mulf %exp3A_349, %div3A : vector<16xf32>
      %add3A_792 = arith.addf %get3A_790, %mul3A_791 : vector<16xf32>
      %swap3A_793 = arith.constant 8 : i32
      %swap3A_794 = arith.index_cast %swap3A_793 : i32 to index
      %swap3A_795 = arith.constant 0 : index
      %swap3A_796 = tpu.vector_load %arg10[%swap3A_794, %swap3A_795] {strides = array<i32>} : memref<16x16xf32, #tpu.memory_space<vmem>>, vector<1x16xf32>,
      %swap3A_797 = vector.shape_cast %swap3A_796 : vector<1x16xf32> to vector<16xf32>
      %swap3A_798 = vector.shape_cast %add3A_792 : vector<16xf32> to vector<1x16xf32>
      tpu.vector_store %arg10[%swap3A_794, %swap3A_795], %swap3A_798 {strides = array<i32>} : memref<16x16xf32, #tpu.memory_space<vmem>>, vector<1x16xf32>,
      %eq3A_799 = arith.cmpi eq, %min3A_422, %broadcast_in_dim3A_210 : vector<16xi32>
      %select_n3A_800 = arith.select %eq3A_799, %broadcast_in_dim3A_230, %broadcast_in_dim3A_1 : vector<16xi1>, vector<16xf32>
      %eq3A_801 = arith.cmpi eq, %min3A_516, %broadcast_in_dim3A_210 : vector<16xi32>
      %select_n3A_802 = arith.select %eq3A_801, %broadcast_in_dim3A_230, %broadcast_in_dim3A_1 : vector<16xi1>, vector<16xf32>
      %get3A_803 = arith.constant 8 : i32
      %get3A_804 = arith.index_cast %get3A_803 : i32 to index
      %get3A_805 = arith.constant 0 : index
      %get3A_806 = tpu.vector_load %arg11[%get3A_804, %get3A_805] {strides = array<i32>} : memref<16x16xf32, #tpu.memory_space<vmem>>, vector<1x16xf32>,
      %get3A_807 = vector.shape_cast %get3A_806 : vector<1x16xf32> to vector<16xf32>
      %add3A_808 = arith.addf %get3A_807, %select_n3A_800 : vector<16xf32>
      %add3A_809 = arith.addf %add3A_808, %select_n3A_802 : vector<16xf32>
      %swap3A_810 = arith.constant 8 : i32
      %swap3A_811 = arith.index_cast %swap3A_810 : i32 to index
      %swap3A_812 = arith.constant 0 : index
      %swap3A_813 = tpu.vector_load %arg11[%swap3A_811, %swap3A_812] {strides = array<i32>} : memref<16x16xf32, #tpu.memory_space<vmem>>, vector<1x16xf32>,
      %swap3A_814 = vector.shape_cast %swap3A_813 : vector<1x16xf32> to vector<16xf32>
      %swap3A_815 = vector.shape_cast %add3A_809 : vector<16xf32> to vector<1x16xf32>
      tpu.vector_store %arg11[%swap3A_811, %swap3A_812], %swap3A_815 {strides = array<i32>} : memref<16x16xf32, #tpu.memory_space<vmem>>, vector<1x16xf32>,
      %get3A_816 = arith.constant 9 : i32
      %get3A_817 = arith.index_cast %get3A_816 : i32 to index
      %get3A_818 = arith.constant 0 : index
      %get3A_819 = tpu.vector_load %arg10[%get3A_817, %get3A_818] {strides = array<i32>} : memref<16x16xf32, #tpu.memory_space<vmem>>, vector<1x16xf32>,
      %get3A_820 = vector.shape_cast %get3A_819 : vector<1x16xf32> to vector<16xf32>
      %mul3A_821 = arith.mulf %exp3A_351, %div3A : vector<16xf32>
      %add3A_822 = arith.addf %get3A_820, %mul3A_821 : vector<16xf32>
      %swap3A_823 = arith.constant 9 : i32
      %swap3A_824 = arith.index_cast %swap3A_823 : i32 to index
      %swap3A_825 = arith.constant 0 : index
      %swap3A_826 = tpu.vector_load %arg10[%swap3A_824, %swap3A_825] {strides = array<i32>} : memref<16x16xf32, #tpu.memory_space<vmem>>, vector<1x16xf32>,
      %swap3A_827 = vector.shape_cast %swap3A_826 : vector<1x16xf32> to vector<16xf32>
      %swap3A_828 = vector.shape_cast %add3A_822 : vector<16xf32> to vector<1x16xf32>
      tpu.vector_store %arg10[%swap3A_824, %swap3A_825], %swap3A_828 {strides = array<i32>} : memref<16x16xf32, #tpu.memory_space<vmem>>, vector<1x16xf32>,
      %eq3A_829 = arith.cmpi eq, %min3A_422, %broadcast_in_dim3A_212 : vector<16xi32>
      %select_n3A_830 = arith.select %eq3A_829, %broadcast_in_dim3A_230, %broadcast_in_dim3A_1 : vector<16xi1>, vector<16xf32>
      %eq3A_831 = arith.cmpi eq, %min3A_516, %broadcast_in_dim3A_212 : vector<16xi32>
      %select_n3A_832 = arith.select %eq3A_831, %broadcast_in_dim3A_230, %broadcast_in_dim3A_1 : vector<16xi1>, vector<16xf32>
      %get3A_833 = arith.constant 9 : i32
      %get3A_834 = arith.index_cast %get3A_833 : i32 to index
      %get3A_835 = arith.constant 0 : index
      %get3A_836 = tpu.vector_load %arg11[%get3A_834, %get3A_835] {strides = array<i32>} : memref<16x16xf32, #tpu.memory_space<vmem>>, vector<1x16xf32>,
      %get3A_837 = vector.shape_cast %get3A_836 : vector<1x16xf32> to vector<16xf32>
      %add3A_838 = arith.addf %get3A_837, %select_n3A_830 : vector<16xf32>
      %add3A_839 = arith.addf %add3A_838, %select_n3A_832 : vector<16xf32>
      %swap3A_840 = arith.constant 9 : i32
      %swap3A_841 = arith.index_cast %swap3A_840 : i32 to index
      %swap3A_842 = arith.constant 0 : index
      %swap3A_843 = tpu.vector_load %arg11[%swap3A_841, %swap3A_842] {strides = array<i32>} : memref<16x16xf32, #tpu.memory_space<vmem>>, vector<1x16xf32>,
      %swap3A_844 = vector.shape_cast %swap3A_843 : vector<1x16xf32> to vector<16xf32>
      %swap3A_845 = vector.shape_cast %add3A_839 : vector<16xf32> to vector<1x16xf32>
      tpu.vector_store %arg11[%swap3A_841, %swap3A_842], %swap3A_845 {strides = array<i32>} : memref<16x16xf32, #tpu.memory_space<vmem>>, vector<1x16xf32>,
      %get3A_846 = arith.constant 10 : i32
      %get3A_847 = arith.index_cast %get3A_846 : i32 to index
      %get3A_848 = arith.constant 0 : index
      %get3A_849 = tpu.vector_load %arg10[%get3A_847, %get3A_848] {strides = array<i32>} : memref<16x16xf32, #tpu.memory_space<vmem>>, vector<1x16xf32>,
      %get3A_850 = vector.shape_cast %get3A_849 : vector<1x16xf32> to vector<16xf32>
      %mul3A_851 = arith.mulf %exp3A_353, %div3A : vector<16xf32>
      %add3A_852 = arith.addf %get3A_850, %mul3A_851 : vector<16xf32>
      %swap3A_853 = arith.constant 10 : i32
      %swap3A_854 = arith.index_cast %swap3A_853 : i32 to index
      %swap3A_855 = arith.constant 0 : index
      %swap3A_856 = tpu.vector_load %arg10[%swap3A_854, %swap3A_855] {strides = array<i32>} : memref<16x16xf32, #tpu.memory_space<vmem>>, vector<1x16xf32>,
      %swap3A_857 = vector.shape_cast %swap3A_856 : vector<1x16xf32> to vector<16xf32>
      %swap3A_858 = vector.shape_cast %add3A_852 : vector<16xf32> to vector<1x16xf32>
      tpu.vector_store %arg10[%swap3A_854, %swap3A_855], %swap3A_858 {strides = array<i32>} : memref<16x16xf32, #tpu.memory_space<vmem>>, vector<1x16xf32>,
      %eq3A_859 = arith.cmpi eq, %min3A_422, %broadcast_in_dim3A_214 : vector<16xi32>
      %select_n3A_860 = arith.select %eq3A_859, %broadcast_in_dim3A_230, %broadcast_in_dim3A_1 : vector<16xi1>, vector<16xf32>
      %eq3A_861 = arith.cmpi eq, %min3A_516, %broadcast_in_dim3A_214 : vector<16xi32>
      %select_n3A_862 = arith.select %eq3A_861, %broadcast_in_dim3A_230, %broadcast_in_dim3A_1 : vector<16xi1>, vector<16xf32>
      %get3A_863 = arith.constant 10 : i32
      %get3A_864 = arith.index_cast %get3A_863 : i32 to index
      %get3A_865 = arith.constant 0 : index
      %get3A_866 = tpu.vector_load %arg11[%get3A_864, %get3A_865] {strides = array<i32>} : memref<16x16xf32, #tpu.memory_space<vmem>>, vector<1x16xf32>,
      %get3A_867 = vector.shape_cast %get3A_866 : vector<1x16xf32> to vector<16xf32>
      %add3A_868 = arith.addf %get3A_867, %select_n3A_860 : vector<16xf32>
      %add3A_869 = arith.addf %add3A_868, %select_n3A_862 : vector<16xf32>
      %swap3A_870 = arith.constant 10 : i32
      %swap3A_871 = arith.index_cast %swap3A_870 : i32 to index
      %swap3A_872 = arith.constant 0 : index
      %swap3A_873 = tpu.vector_load %arg11[%swap3A_871, %swap3A_872] {strides = array<i32>} : memref<16x16xf32, #tpu.memory_space<vmem>>, vector<1x16xf32>,
      %swap3A_874 = vector.shape_cast %swap3A_873 : vector<1x16xf32> to vector<16xf32>
      %swap3A_875 = vector.shape_cast %add3A_869 : vector<16xf32> to vector<1x16xf32>
      tpu.vector_store %arg11[%swap3A_871, %swap3A_872], %swap3A_875 {strides = array<i32>} : memref<16x16xf32, #tpu.memory_space<vmem>>, vector<1x16xf32>,
      %get3A_876 = arith.constant 11 : i32
      %get3A_877 = arith.index_cast %get3A_876 : i32 to index
      %get3A_878 = arith.constant 0 : index
      %get3A_879 = tpu.vector_load %arg10[%get3A_877, %get3A_878] {strides = array<i32>} : memref<16x16xf32, #tpu.memory_space<vmem>>, vector<1x16xf32>,
      %get3A_880 = vector.shape_cast %get3A_879 : vector<1x16xf32> to vector<16xf32>
      %mul3A_881 = arith.mulf %exp3A_355, %div3A : vector<16xf32>
      %add3A_882 = arith.addf %get3A_880, %mul3A_881 : vector<16xf32>
      %swap3A_883 = arith.constant 11 : i32
      %swap3A_884 = arith.index_cast %swap3A_883 : i32 to index
      %swap3A_885 = arith.constant 0 : index
      %swap3A_886 = tpu.vector_load %arg10[%swap3A_884, %swap3A_885] {strides = array<i32>} : memref<16x16xf32, #tpu.memory_space<vmem>>, vector<1x16xf32>,
      %swap3A_887 = vector.shape_cast %swap3A_886 : vector<1x16xf32> to vector<16xf32>
      %swap3A_888 = vector.shape_cast %add3A_882 : vector<16xf32> to vector<1x16xf32>
      tpu.vector_store %arg10[%swap3A_884, %swap3A_885], %swap3A_888 {strides = array<i32>} : memref<16x16xf32, #tpu.memory_space<vmem>>, vector<1x16xf32>,
      %eq3A_889 = arith.cmpi eq, %min3A_422, %broadcast_in_dim3A_216 : vector<16xi32>
      %select_n3A_890 = arith.select %eq3A_889, %broadcast_in_dim3A_230, %broadcast_in_dim3A_1 : vector<16xi1>, vector<16xf32>
      %eq3A_891 = arith.cmpi eq, %min3A_516, %broadcast_in_dim3A_216 : vector<16xi32>
      %select_n3A_892 = arith.select %eq3A_891, %broadcast_in_dim3A_230, %broadcast_in_dim3A_1 : vector<16xi1>, vector<16xf32>
      %get3A_893 = arith.constant 11 : i32
      %get3A_894 = arith.index_cast %get3A_893 : i32 to index
      %get3A_895 = arith.constant 0 : index
      %get3A_896 = tpu.vector_load %arg11[%get3A_894, %get3A_895] {strides = array<i32>} : memref<16x16xf32, #tpu.memory_space<vmem>>, vector<1x16xf32>,
      %get3A_897 = vector.shape_cast %get3A_896 : vector<1x16xf32> to vector<16xf32>
      %add3A_898 = arith.addf %get3A_897, %select_n3A_890 : vector<16xf32>
      %add3A_899 = arith.addf %add3A_898, %select_n3A_892 : vector<16xf32>
      %swap3A_900 = arith.constant 11 : i32
      %swap3A_901 = arith.index_cast %swap3A_900 : i32 to index
      %swap3A_902 = arith.constant 0 : index
      %swap3A_903 = tpu.vector_load %arg11[%swap3A_901, %swap3A_902] {strides = array<i32>} : memref<16x16xf32, #tpu.memory_space<vmem>>, vector<1x16xf32>,
      %swap3A_904 = vector.shape_cast %swap3A_903 : vector<1x16xf32> to vector<16xf32>
      %swap3A_905 = vector.shape_cast %add3A_899 : vector<16xf32> to vector<1x16xf32>
      tpu.vector_store %arg11[%swap3A_901, %swap3A_902], %swap3A_905 {strides = array<i32>} : memref<16x16xf32, #tpu.memory_space<vmem>>, vector<1x16xf32>,
      %get3A_906 = arith.constant 12 : i32
      %get3A_907 = arith.index_cast %get3A_906 : i32 to index
      %get3A_908 = arith.constant 0 : index
      %get3A_909 = tpu.vector_load %arg10[%get3A_907, %get3A_908] {strides = array<i32>} : memref<16x16xf32, #tpu.memory_space<vmem>>, vector<1x16xf32>,
      %get3A_910 = vector.shape_cast %get3A_909 : vector<1x16xf32> to vector<16xf32>
      %mul3A_911 = arith.mulf %exp3A_357, %div3A : vector<16xf32>
      %add3A_912 = arith.addf %get3A_910, %mul3A_911 : vector<16xf32>
      %swap3A_913 = arith.constant 12 : i32
      %swap3A_914 = arith.index_cast %swap3A_913 : i32 to index
      %swap3A_915 = arith.constant 0 : index
      %swap3A_916 = tpu.vector_load %arg10[%swap3A_914, %swap3A_915] {strides = array<i32>} : memref<16x16xf32, #tpu.memory_space<vmem>>, vector<1x16xf32>,
      %swap3A_917 = vector.shape_cast %swap3A_916 : vector<1x16xf32> to vector<16xf32>
      %swap3A_918 = vector.shape_cast %add3A_912 : vector<16xf32> to vector<1x16xf32>
      tpu.vector_store %arg10[%swap3A_914, %swap3A_915], %swap3A_918 {strides = array<i32>} : memref<16x16xf32, #tpu.memory_space<vmem>>, vector<1x16xf32>,
      %eq3A_919 = arith.cmpi eq, %min3A_422, %broadcast_in_dim3A_218 : vector<16xi32>
      %select_n3A_920 = arith.select %eq3A_919, %broadcast_in_dim3A_230, %broadcast_in_dim3A_1 : vector<16xi1>, vector<16xf32>
      %eq3A_921 = arith.cmpi eq, %min3A_516, %broadcast_in_dim3A_218 : vector<16xi32>
      %select_n3A_922 = arith.select %eq3A_921, %broadcast_in_dim3A_230, %broadcast_in_dim3A_1 : vector<16xi1>, vector<16xf32>
      %get3A_923 = arith.constant 12 : i32
      %get3A_924 = arith.index_cast %get3A_923 : i32 to index
      %get3A_925 = arith.constant 0 : index
      %get3A_926 = tpu.vector_load %arg11[%get3A_924, %get3A_925] {strides = array<i32>} : memref<16x16xf32, #tpu.memory_space<vmem>>, vector<1x16xf32>,
      %get3A_927 = vector.shape_cast %get3A_926 : vector<1x16xf32> to vector<16xf32>
      %add3A_928 = arith.addf %get3A_927, %select_n3A_920 : vector<16xf32>
      %add3A_929 = arith.addf %add3A_928, %select_n3A_922 : vector<16xf32>
      %swap3A_930 = arith.constant 12 : i32
      %swap3A_931 = arith.index_cast %swap3A_930 : i32 to index
      %swap3A_932 = arith.constant 0 : index
      %swap3A_933 = tpu.vector_load %arg11[%swap3A_931, %swap3A_932] {strides = array<i32>} : memref<16x16xf32, #tpu.memory_space<vmem>>, vector<1x16xf32>,
      %swap3A_934 = vector.shape_cast %swap3A_933 : vector<1x16xf32> to vector<16xf32>
      %swap3A_935 = vector.shape_cast %add3A_929 : vector<16xf32> to vector<1x16xf32>
      tpu.vector_store %arg11[%swap3A_931, %swap3A_932], %swap3A_935 {strides = array<i32>} : memref<16x16xf32, #tpu.memory_space<vmem>>, vector<1x16xf32>,
      %get3A_936 = arith.constant 13 : i32
      %get3A_937 = arith.index_cast %get3A_936 : i32 to index
      %get3A_938 = arith.constant 0 : index
      %get3A_939 = tpu.vector_load %arg10[%get3A_937, %get3A_938] {strides = array<i32>} : memref<16x16xf32, #tpu.memory_space<vmem>>, vector<1x16xf32>,
      %get3A_940 = vector.shape_cast %get3A_939 : vector<1x16xf32> to vector<16xf32>
      %mul3A_941 = arith.mulf %exp3A_359, %div3A : vector<16xf32>
      %add3A_942 = arith.addf %get3A_940, %mul3A_941 : vector<16xf32>
      %swap3A_943 = arith.constant 13 : i32
      %swap3A_944 = arith.index_cast %swap3A_943 : i32 to index
      %swap3A_945 = arith.constant 0 : index
      %swap3A_946 = tpu.vector_load %arg10[%swap3A_944, %swap3A_945] {strides = array<i32>} : memref<16x16xf32, #tpu.memory_space<vmem>>, vector<1x16xf32>,
      %swap3A_947 = vector.shape_cast %swap3A_946 : vector<1x16xf32> to vector<16xf32>
      %swap3A_948 = vector.shape_cast %add3A_942 : vector<16xf32> to vector<1x16xf32>
      tpu.vector_store %arg10[%swap3A_944, %swap3A_945], %swap3A_948 {strides = array<i32>} : memref<16x16xf32, #tpu.memory_space<vmem>>, vector<1x16xf32>,
      %eq3A_949 = arith.cmpi eq, %min3A_422, %broadcast_in_dim3A_220 : vector<16xi32>
      %select_n3A_950 = arith.select %eq3A_949, %broadcast_in_dim3A_230, %broadcast_in_dim3A_1 : vector<16xi1>, vector<16xf32>
      %eq3A_951 = arith.cmpi eq, %min3A_516, %broadcast_in_dim3A_220 : vector<16xi32>
      %select_n3A_952 = arith.select %eq3A_951, %broadcast_in_dim3A_230, %broadcast_in_dim3A_1 : vector<16xi1>, vector<16xf32>
      %get3A_953 = arith.constant 13 : i32
      %get3A_954 = arith.index_cast %get3A_953 : i32 to index
      %get3A_955 = arith.constant 0 : index
      %get3A_956 = tpu.vector_load %arg11[%get3A_954, %get3A_955] {strides = array<i32>} : memref<16x16xf32, #tpu.memory_space<vmem>>, vector<1x16xf32>,
      %get3A_957 = vector.shape_cast %get3A_956 : vector<1x16xf32> to vector<16xf32>
      %add3A_958 = arith.addf %get3A_957, %select_n3A_950 : vector<16xf32>
      %add3A_959 = arith.addf %add3A_958, %select_n3A_952 : vector<16xf32>
      %swap3A_960 = arith.constant 13 : i32
      %swap3A_961 = arith.index_cast %swap3A_960 : i32 to index
      %swap3A_962 = arith.constant 0 : index
      %swap3A_963 = tpu.vector_load %arg11[%swap3A_961, %swap3A_962] {strides = array<i32>} : memref<16x16xf32, #tpu.memory_space<vmem>>, vector<1x16xf32>,
      %swap3A_964 = vector.shape_cast %swap3A_963 : vector<1x16xf32> to vector<16xf32>
      %swap3A_965 = vector.shape_cast %add3A_959 : vector<16xf32> to vector<1x16xf32>
      tpu.vector_store %arg11[%swap3A_961, %swap3A_962], %swap3A_965 {strides = array<i32>} : memref<16x16xf32, #tpu.memory_space<vmem>>, vector<1x16xf32>,
      %get3A_966 = arith.constant 14 : i32
      %get3A_967 = arith.index_cast %get3A_966 : i32 to index
      %get3A_968 = arith.constant 0 : index
      %get3A_969 = tpu.vector_load %arg10[%get3A_967, %get3A_968] {strides = array<i32>} : memref<16x16xf32, #tpu.memory_space<vmem>>, vector<1x16xf32>,
      %get3A_970 = vector.shape_cast %get3A_969 : vector<1x16xf32> to vector<16xf32>
      %mul3A_971 = arith.mulf %exp3A_361, %div3A : vector<16xf32>
      %add3A_972 = arith.addf %get3A_970, %mul3A_971 : vector<16xf32>
      %swap3A_973 = arith.constant 14 : i32
      %swap3A_974 = arith.index_cast %swap3A_973 : i32 to index
      %swap3A_975 = arith.constant 0 : index
      %swap3A_976 = tpu.vector_load %arg10[%swap3A_974, %swap3A_975] {strides = array<i32>} : memref<16x16xf32, #tpu.memory_space<vmem>>, vector<1x16xf32>,
      %swap3A_977 = vector.shape_cast %swap3A_976 : vector<1x16xf32> to vector<16xf32>
      %swap3A_978 = vector.shape_cast %add3A_972 : vector<16xf32> to vector<1x16xf32>
      tpu.vector_store %arg10[%swap3A_974, %swap3A_975], %swap3A_978 {strides = array<i32>} : memref<16x16xf32, #tpu.memory_space<vmem>>, vector<1x16xf32>,
      %eq3A_979 = arith.cmpi eq, %min3A_422, %broadcast_in_dim3A_222 : vector<16xi32>
      %select_n3A_980 = arith.select %eq3A_979, %broadcast_in_dim3A_230, %broadcast_in_dim3A_1 : vector<16xi1>, vector<16xf32>
      %eq3A_981 = arith.cmpi eq, %min3A_516, %broadcast_in_dim3A_222 : vector<16xi32>
      %select_n3A_982 = arith.select %eq3A_981, %broadcast_in_dim3A_230, %broadcast_in_dim3A_1 : vector<16xi1>, vector<16xf32>
      %get3A_983 = arith.constant 14 : i32
      %get3A_984 = arith.index_cast %get3A_983 : i32 to index
      %get3A_985 = arith.constant 0 : index
      %get3A_986 = tpu.vector_load %arg11[%get3A_984, %get3A_985] {strides = array<i32>} : memref<16x16xf32, #tpu.memory_space<vmem>>, vector<1x16xf32>,
      %get3A_987 = vector.shape_cast %get3A_986 : vector<1x16xf32> to vector<16xf32>
      %add3A_988 = arith.addf %get3A_987, %select_n3A_980 : vector<16xf32>
      %add3A_989 = arith.addf %add3A_988, %select_n3A_982 : vector<16xf32>
      %swap3A_990 = arith.constant 14 : i32
      %swap3A_991 = arith.index_cast %swap3A_990 : i32 to index
      %swap3A_992 = arith.constant 0 : index
      %swap3A_993 = tpu.vector_load %arg11[%swap3A_991, %swap3A_992] {strides = array<i32>} : memref<16x16xf32, #tpu.memory_space<vmem>>, vector<1x16xf32>,
      %swap3A_994 = vector.shape_cast %swap3A_993 : vector<1x16xf32> to vector<16xf32>
      %swap3A_995 = vector.shape_cast %add3A_989 : vector<16xf32> to vector<1x16xf32>
      tpu.vector_store %arg11[%swap3A_991, %swap3A_992], %swap3A_995 {strides = array<i32>} : memref<16x16xf32, #tpu.memory_space<vmem>>, vector<1x16xf32>,
      %get3A_996 = arith.constant 15 : i32
      %get3A_997 = arith.index_cast %get3A_996 : i32 to index
      %get3A_998 = arith.constant 0 : index
      %get3A_999 = tpu.vector_load %arg10[%get3A_997, %get3A_998] {strides = array<i32>} : memref<16x16xf32, #tpu.memory_space<vmem>>, vector<1x16xf32>,
      %get3A_1000 = vector.shape_cast %get3A_999 : vector<1x16xf32> to vector<16xf32>
      %mul3A_1001 = arith.mulf %exp3A_363, %div3A : vector<16xf32>
      %add3A_1002 = arith.addf %get3A_1000, %mul3A_1001 : vector<16xf32>
      %swap3A_1003 = arith.constant 15 : i32
      %swap3A_1004 = arith.index_cast %swap3A_1003 : i32 to index
      %swap3A_1005 = arith.constant 0 : index
      %swap3A_1006 = tpu.vector_load %arg10[%swap3A_1004, %swap3A_1005] {strides = array<i32>} : memref<16x16xf32, #tpu.memory_space<vmem>>, vector<1x16xf32>,
      %swap3A_1007 = vector.shape_cast %swap3A_1006 : vector<1x16xf32> to vector<16xf32>
      %swap3A_1008 = vector.shape_cast %add3A_1002 : vector<16xf32> to vector<1x16xf32>
      tpu.vector_store %arg10[%swap3A_1004, %swap3A_1005], %swap3A_1008 {strides = array<i32>} : memref<16x16xf32, #tpu.memory_space<vmem>>, vector<1x16xf32>,
      %eq3A_1009 = arith.cmpi eq, %min3A_422, %broadcast_in_dim3A_224 : vector<16xi32>
      %select_n3A_1010 = arith.select %eq3A_1009, %broadcast_in_dim3A_230, %broadcast_in_dim3A_1 : vector<16xi1>, vector<16xf32>
      %eq3A_1011 = arith.cmpi eq, %min3A_516, %broadcast_in_dim3A_224 : vector<16xi32>
      %select_n3A_1012 = arith.select %eq3A_1011, %broadcast_in_dim3A_230, %broadcast_in_dim3A_1 : vector<16xi1>, vector<16xf32>
      %get3A_1013 = arith.constant 15 : i32
      %get3A_1014 = arith.index_cast %get3A_1013 : i32 to index
      %get3A_1015 = arith.constant 0 : index
      %get3A_1016 = tpu.vector_load %arg11[%get3A_1014, %get3A_1015] {strides = array<i32>} : memref<16x16xf32, #tpu.memory_space<vmem>>, vector<1x16xf32>,
      %get3A_1017 = vector.shape_cast %get3A_1016 : vector<1x16xf32> to vector<16xf32>
      %add3A_1018 = arith.addf %get3A_1017, %select_n3A_1010 : vector<16xf32>
      %add3A_1019 = arith.addf %add3A_1018, %select_n3A_1012 : vector<16xf32>
      %swap3A_1020 = arith.constant 15 : i32
      %swap3A_1021 = arith.index_cast %swap3A_1020 : i32 to index
      %swap3A_1022 = arith.constant 0 : index
      %swap3A_1023 = tpu.vector_load %arg11[%swap3A_1021, %swap3A_1022] {strides = array<i32>} : memref<16x16xf32, #tpu.memory_space<vmem>>, vector<1x16xf32>,
      %swap3A_1024 = vector.shape_cast %swap3A_1023 : vector<1x16xf32> to vector<16xf32>
      %swap3A_1025 = vector.shape_cast %add3A_1019 : vector<16xf32> to vector<1x16xf32>
      tpu.vector_store %arg11[%swap3A_1021, %swap3A_1022], %swap3A_1025 {strides = array<i32>} : memref<16x16xf32, #tpu.memory_space<vmem>>, vector<1x16xf32>,
      %scan3A_1026 = arith.constant 0 : i32
      scf.yield %scan3A_1026 : i32
    }
    %scan3A_236 = arith.constant 32 : i32
    "tpu.region"() ({
      %run_scoped3A = tpu.sem_alloc : memref<!tpu.dma_semaphore, #tpu.memory_space<semaphore_mem>>
      %dma_start3A = arith.constant 0 : i32
      %dma_start3A_237 = arith.constant 0 : i32
      %dma_start3A_238 = tpu.memref_slice %arg3[%add3A, %dma_start3A, %dma_start3A_237] : memref<32x2x512xf32, #tpu.memory_space<hbm>> -> memref<1x2x512xf32, #tpu.memory_space<hbm>>
      %dma_start3A_239 = tpu.memref_squeeze %dma_start3A_238 : memref<1x2x512xf32, #tpu.memory_space<hbm>> -> memref<2x512xf32, #tpu.memory_space<hbm>>
      %dma_start3A_240 = arith.constant 0 : i32
      %dma_start3A_241 = arith.constant 0 : i32
      %dma_start3A_242 = tpu.memref_slice %arg3[%add3A, %dma_start3A_240, %dma_start3A_241] : memref<32x2x512xf32, #tpu.memory_space<hbm>> -> memref<1x2x512xf32, #tpu.memory_space<hbm>>
      %dma_start3A_243 = tpu.memref_squeeze %dma_start3A_242 : memref<1x2x512xf32, #tpu.memory_space<hbm>> -> memref<2x512xf32, #tpu.memory_space<hbm>>
      tpu.enqueue_dma source(%arg8 : memref<2x512xf32, #tpu.memory_space<vmem>>) target(%dma_start3A_243 : memref<2x512xf32, #tpu.memory_space<hbm>>) target_semaphore(%run_scoped3A : memref<!tpu.dma_semaphore, #tpu.memory_space<semaphore_mem>>)
      %dma_wait3A = arith.constant 0 : i32
      %dma_wait3A_244 = arith.constant 0 : i32
      %dma_wait3A_245 = tpu.memref_slice %arg3[%add3A, %dma_wait3A, %dma_wait3A_244] : memref<32x2x512xf32, #tpu.memory_space<hbm>> -> memref<1x2x512xf32, #tpu.memory_space<hbm>>
      %dma_wait3A_246 = tpu.memref_squeeze %dma_wait3A_245 : memref<1x2x512xf32, #tpu.memory_space<hbm>> -> memref<2x512xf32, #tpu.memory_space<hbm>>
      %dma_wait3A_247 = arith.constant 0 : i32
      %dma_wait3A_248 = arith.constant 0 : i32
      %dma_wait3A_249 = tpu.memref_slice %arg3[%add3A, %dma_wait3A_247, %dma_wait3A_248] : memref<32x2x512xf32, #tpu.memory_space<hbm>> -> memref<1x2x512xf32, #tpu.memory_space<hbm>>
      %dma_wait3A_250 = tpu.memref_squeeze %dma_wait3A_249 : memref<1x2x512xf32, #tpu.memory_space<hbm>> -> memref<2x512xf32, #tpu.memory_space<hbm>>
      tpu.wait_dma2 semaphore(%run_scoped3A : memref<!tpu.dma_semaphore, #tpu.memory_space<semaphore_mem>>) src(%arg8 : memref<2x512xf32, #tpu.memory_space<vmem>>) dst(%dma_wait3A_250 : memref<2x512xf32, #tpu.memory_space<hbm>>)
      tpu.yield
    }) : () -> ()
    "tpu.region"() ({
      %run_scoped3A = tpu.sem_alloc : memref<!tpu.dma_semaphore, #tpu.memory_space<semaphore_mem>>
      %dma_start3A = arith.constant 0 : i32
      %dma_start3A_237 = arith.constant 0 : i32
      %dma_start3A_238 = tpu.memref_slice %arg4[%add3A, %dma_start3A, %dma_start3A_237] : memref<32x2x512xi32, #tpu.memory_space<hbm>> -> memref<1x2x512xi32, #tpu.memory_space<hbm>>
      %dma_start3A_239 = tpu.memref_squeeze %dma_start3A_238 : memref<1x2x512xi32, #tpu.memory_space<hbm>> -> memref<2x512xi32, #tpu.memory_space<hbm>>
      %dma_start3A_240 = arith.constant 0 : i32
      %dma_start3A_241 = arith.constant 0 : i32
      %dma_start3A_242 = tpu.memref_slice %arg4[%add3A, %dma_start3A_240, %dma_start3A_241] : memref<32x2x512xi32, #tpu.memory_space<hbm>> -> memref<1x2x512xi32, #tpu.memory_space<hbm>>
      %dma_start3A_243 = tpu.memref_squeeze %dma_start3A_242 : memref<1x2x512xi32, #tpu.memory_space<hbm>> -> memref<2x512xi32, #tpu.memory_space<hbm>>
      tpu.enqueue_dma source(%arg9 : memref<2x512xi32, #tpu.memory_space<vmem>>) target(%dma_start3A_243 : memref<2x512xi32, #tpu.memory_space<hbm>>) target_semaphore(%run_scoped3A : memref<!tpu.dma_semaphore, #tpu.memory_space<semaphore_mem>>)
      %dma_wait3A = arith.constant 0 : i32
      %dma_wait3A_244 = arith.constant 0 : i32
      %dma_wait3A_245 = tpu.memref_slice %arg4[%add3A, %dma_wait3A, %dma_wait3A_244] : memref<32x2x512xi32, #tpu.memory_space<hbm>> -> memref<1x2x512xi32, #tpu.memory_space<hbm>>
      %dma_wait3A_246 = tpu.memref_squeeze %dma_wait3A_245 : memref<1x2x512xi32, #tpu.memory_space<hbm>> -> memref<2x512xi32, #tpu.memory_space<hbm>>
      %dma_wait3A_247 = arith.constant 0 : i32
      %dma_wait3A_248 = arith.constant 0 : i32
      %dma_wait3A_249 = tpu.memref_slice %arg4[%add3A, %dma_wait3A_247, %dma_wait3A_248] : memref<32x2x512xi32, #tpu.memory_space<hbm>> -> memref<1x2x512xi32, #tpu.memory_space<hbm>>
      %dma_wait3A_250 = tpu.memref_squeeze %dma_wait3A_249 : memref<1x2x512xi32, #tpu.memory_space<hbm>> -> memref<2x512xi32, #tpu.memory_space<hbm>>
      tpu.wait_dma2 semaphore(%run_scoped3A : memref<!tpu.dma_semaphore, #tpu.memory_space<semaphore_mem>>) src(%arg9 : memref<2x512xi32, #tpu.memory_space<vmem>>) dst(%dma_wait3A_250 : memref<2x512xi32, #tpu.memory_space<hbm>>)
      tpu.yield
    }) : () -> ()
    "tpu.region"() ({
      %run_scoped3A = tpu.sem_alloc : memref<!tpu.dma_semaphore, #tpu.memory_space<semaphore_mem>>
      %dma_start3A = arith.constant 0 : i32
      %dma_start3A_237 = arith.constant 0 : i32
      %dma_start3A_238 = tpu.memref_slice %arg5[%add3A, %dma_start3A, %dma_start3A_237] : memref<32x16x16xf32, #tpu.memory_space<hbm>> -> memref<1x16x16xf32, #tpu.memory_space<hbm>>
      %dma_start3A_239 = tpu.memref_squeeze %dma_start3A_238 : memref<1x16x16xf32, #tpu.memory_space<hbm>> -> memref<16x16xf32, #tpu.memory_space<hbm>>
      %dma_start3A_240 = arith.constant 0 : i32
      %dma_start3A_241 = arith.constant 0 : i32
      %dma_start3A_242 = tpu.memref_slice %arg5[%add3A, %dma_start3A_240, %dma_start3A_241] : memref<32x16x16xf32, #tpu.memory_space<hbm>> -> memref<1x16x16xf32, #tpu.memory_space<hbm>>
      %dma_start3A_243 = tpu.memref_squeeze %dma_start3A_242 : memref<1x16x16xf32, #tpu.memory_space<hbm>> -> memref<16x16xf32, #tpu.memory_space<hbm>>
      tpu.enqueue_dma source(%arg10 : memref<16x16xf32, #tpu.memory_space<vmem>>) target(%dma_start3A_243 : memref<16x16xf32, #tpu.memory_space<hbm>>) target_semaphore(%run_scoped3A : memref<!tpu.dma_semaphore, #tpu.memory_space<semaphore_mem>>)
      %dma_wait3A = arith.constant 0 : i32
      %dma_wait3A_244 = arith.constant 0 : i32
      %dma_wait3A_245 = tpu.memref_slice %arg5[%add3A, %dma_wait3A, %dma_wait3A_244] : memref<32x16x16xf32, #tpu.memory_space<hbm>> -> memref<1x16x16xf32, #tpu.memory_space<hbm>>
      %dma_wait3A_246 = tpu.memref_squeeze %dma_wait3A_245 : memref<1x16x16xf32, #tpu.memory_space<hbm>> -> memref<16x16xf32, #tpu.memory_space<hbm>>
      %dma_wait3A_247 = arith.constant 0 : i32
      %dma_wait3A_248 = arith.constant 0 : i32
      %dma_wait3A_249 = tpu.memref_slice %arg5[%add3A, %dma_wait3A_247, %dma_wait3A_248] : memref<32x16x16xf32, #tpu.memory_space<hbm>> -> memref<1x16x16xf32, #tpu.memory_space<hbm>>
      %dma_wait3A_250 = tpu.memref_squeeze %dma_wait3A_249 : memref<1x16x16xf32, #tpu.memory_space<hbm>> -> memref<16x16xf32, #tpu.memory_space<hbm>>
      tpu.wait_dma2 semaphore(%run_scoped3A : memref<!tpu.dma_semaphore, #tpu.memory_space<semaphore_mem>>) src(%arg10 : memref<16x16xf32, #tpu.memory_space<vmem>>) dst(%dma_wait3A_250 : memref<16x16xf32, #tpu.memory_space<hbm>>)
      tpu.yield
    }) : () -> ()
    "tpu.region"() ({
      %run_scoped3A = tpu.sem_alloc : memref<!tpu.dma_semaphore, #tpu.memory_space<semaphore_mem>>
      %dma_start3A = arith.constant 0 : i32
      %dma_start3A_237 = arith.constant 0 : i32
      %dma_start3A_238 = tpu.memref_slice %arg6[%add3A, %dma_start3A, %dma_start3A_237] : memref<32x16x16xf32, #tpu.memory_space<hbm>> -> memref<1x16x16xf32, #tpu.memory_space<hbm>>
      %dma_start3A_239 = tpu.memref_squeeze %dma_start3A_238 : memref<1x16x16xf32, #tpu.memory_space<hbm>> -> memref<16x16xf32, #tpu.memory_space<hbm>>
      %dma_start3A_240 = arith.constant 0 : i32
      %dma_start3A_241 = arith.constant 0 : i32
      %dma_start3A_242 = tpu.memref_slice %arg6[%add3A, %dma_start3A_240, %dma_start3A_241] : memref<32x16x16xf32, #tpu.memory_space<hbm>> -> memref<1x16x16xf32, #tpu.memory_space<hbm>>
      %dma_start3A_243 = tpu.memref_squeeze %dma_start3A_242 : memref<1x16x16xf32, #tpu.memory_space<hbm>> -> memref<16x16xf32, #tpu.memory_space<hbm>>
      tpu.enqueue_dma source(%arg11 : memref<16x16xf32, #tpu.memory_space<vmem>>) target(%dma_start3A_243 : memref<16x16xf32, #tpu.memory_space<hbm>>) target_semaphore(%run_scoped3A : memref<!tpu.dma_semaphore, #tpu.memory_space<semaphore_mem>>)
      %dma_wait3A = arith.constant 0 : i32
      %dma_wait3A_244 = arith.constant 0 : i32
      %dma_wait3A_245 = tpu.memref_slice %arg6[%add3A, %dma_wait3A, %dma_wait3A_244] : memref<32x16x16xf32, #tpu.memory_space<hbm>> -> memref<1x16x16xf32, #tpu.memory_space<hbm>>
      %dma_wait3A_246 = tpu.memref_squeeze %dma_wait3A_245 : memref<1x16x16xf32, #tpu.memory_space<hbm>> -> memref<16x16xf32, #tpu.memory_space<hbm>>
      %dma_wait3A_247 = arith.constant 0 : i32
      %dma_wait3A_248 = arith.constant 0 : i32
      %dma_wait3A_249 = tpu.memref_slice %arg6[%add3A, %dma_wait3A_247, %dma_wait3A_248] : memref<32x16x16xf32, #tpu.memory_space<hbm>> -> memref<1x16x16xf32, #tpu.memory_space<hbm>>
      %dma_wait3A_250 = tpu.memref_squeeze %dma_wait3A_249 : memref<1x16x16xf32, #tpu.memory_space<hbm>> -> memref<16x16xf32, #tpu.memory_space<hbm>>
      tpu.wait_dma2 semaphore(%run_scoped3A : memref<!tpu.dma_semaphore, #tpu.memory_space<semaphore_mem>>) src(%arg11 : memref<16x16xf32, #tpu.memory_space<vmem>>) dst(%dma_wait3A_250 : memref<16x16xf32, #tpu.memory_space<hbm>>)
      tpu.yield
    }) : () -> ()
    return
  }
}

module attributes {stable_mosaic.version = 14 : i64} {
  func.func @_tc_kernel(%arg0: i32, %arg1: memref<1024x2048xf32, #tpu.memory_space<vmem>>, %arg2: memref<16x2048xf32, #tpu.memory_space<vmem>>, %arg3: memref<2x16x512xf32, #tpu.memory_space<vmem>>, %arg4: memref<8x128xf32, #tpu.memory_space<vmem>>) attributes {dimension_semantics = [#tpu.dimension_semantics<arbitrary>], iteration_bounds = array<i64: 16>, scalar_prefetch = 0 : i64, scratch_operands = 0 : i64, tpu.core_type = #tpu.core_type<tc>, window_params = [{transform_indices = @transform_0, window_bounds = array<i64: 1024, 2048>}, {pipeline_mode = #tpu.pipeline_mode<synchronous>, transform_indices = @transform_1, window_bounds = array<i64: 16, 2048>}, {transform_indices = @transform_2, window_bounds = array<i64: 2, 16, 512>}, {pipeline_mode = #tpu.pipeline_mode<synchronous>, transform_indices = @transform_3, window_bounds = array<i64: 8, 128>}]} {
    %get3A = arith.constant 0 : index
    %get3A_0 = arith.constant 0 : index
    %get3A_1 = vector.load %arg2[%get3A, %get3A_0] : memref<16x2048xf32, #tpu.memory_space<vmem>>, vector<16x2048xf32>
    %get3A_2 = arith.constant 0 : index
    %get3A_3 = arith.constant 0 : index
    %get3A_4 = vector.load %arg1[%get3A_2, %get3A_3] : memref<1024x2048xf32, #tpu.memory_space<vmem>>, vector<1024x2048xf32>
    %dot_general3A = arith.constant dense<0.000000e+00> : vector<16x1024xf32>
    %dot_general3A_5 = tpu.matmul %get3A_1, %get3A_4, %dot_general3A {dimension_numbers = #tpu.dot_dimension_numbers<[1], [1], [0], [0], [0, 0, 1, 0], [], []>, transpose_lhs_hint = false} : vector<16x2048xf32>, vector<1024x2048xf32>, vector<16x1024xf32> -> vector<16x1024xf32>
    %slice3A = vector.extract_strided_slice %dot_general3A_5 {offsets = [0, 0], sizes = [16, 512], strides = [1, 1]} : vector<16x1024xf32> to vector<16x512xf32>
    %swap3A = arith.constant 0 : index
    %swap3A_6 = arith.constant 0 : index
    %swap3A_7 = arith.constant 0 : index
    %swap3A_8 = vector.load %arg3[%swap3A, %swap3A_6, %swap3A_7] : memref<2x16x512xf32, #tpu.memory_space<vmem>>, vector<1x16x512xf32>
    %swap3A_9 = vector.shape_cast %swap3A_8 : vector<1x16x512xf32> to vector<16x512xf32>
    %swap3A_10 = vector.shape_cast %slice3A : vector<16x512xf32> to vector<1x16x512xf32>
    tpu.vector_store %arg3[%swap3A, %swap3A_6, %swap3A_7], %swap3A_10 {strides = array<i32>} : memref<2x16x512xf32, #tpu.memory_space<vmem>>, vector<1x16x512xf32>,
    %slice3A_11 = vector.extract_strided_slice %dot_general3A_5 {offsets = [0, 512], sizes = [16, 512], strides = [1, 1]} : vector<16x1024xf32> to vector<16x512xf32>
    %swap3A_12 = arith.constant 1 : index
    %swap3A_13 = arith.constant 0 : index
    %swap3A_14 = arith.constant 0 : index
    %swap3A_15 = vector.load %arg3[%swap3A_12, %swap3A_13, %swap3A_14] : memref<2x16x512xf32, #tpu.memory_space<vmem>>, vector<1x16x512xf32>
    %swap3A_16 = vector.shape_cast %swap3A_15 : vector<1x16x512xf32> to vector<16x512xf32>
    %swap3A_17 = vector.shape_cast %slice3A_11 : vector<16x512xf32> to vector<1x16x512xf32>
    tpu.vector_store %arg3[%swap3A_12, %swap3A_13, %swap3A_14], %swap3A_17 {strides = array<i32>} : memref<2x16x512xf32, #tpu.memory_space<vmem>>, vector<1x16x512xf32>,
    %reduce_max3A = arith.constant dense<0xFF800000> : vector<1024xf32>
    %reduce_max3A_18 = vector.multi_reduction <maximumf>, %dot_general3A_5, %reduce_max3A [0] : vector<16x1024xf32> to vector<1024xf32>
    %broadcast_in_dim3A = vector.shape_cast %reduce_max3A_18 : vector<1024xf32> to vector<1x1024xf32>
    %sub3A = vector.broadcast %broadcast_in_dim3A : vector<1x1024xf32> to vector<16x1024xf32>
    %sub3A_19 = arith.subf %dot_general3A_5, %sub3A : vector<16x1024xf32>
    %exp3A = math.exp %sub3A_19 : vector<16x1024xf32>
    %reduce_sum3A = arith.constant dense<0.000000e+00> : vector<1024xf32>
    %reduce_sum3A_20 = vector.multi_reduction <add>, %exp3A, %reduce_sum3A [0] : vector<16x1024xf32> to vector<1024xf32>
    %broadcast_in_dim3A_21 = vector.shape_cast %reduce_sum3A_20 : vector<1024xf32> to vector<1x1024xf32>
    %log3A = math.log %broadcast_in_dim3A_21 : vector<1x1024xf32>
    %add3A = arith.addf %broadcast_in_dim3A, %log3A : vector<1x1024xf32>
    %mul3A = arith.mulf %add3A, %add3A : vector<1x1024xf32>
    %reduce_sum3A_22 = arith.constant dense<0.000000e+00> : vector<1xf32>
    %reduce_sum3A_23 = vector.multi_reduction <add>, %mul3A, %reduce_sum3A_22 [1] : vector<1x1024xf32> to vector<1xf32>
    %broadcast_in_dim3A_24 = vector.shape_cast %reduce_sum3A_23 : vector<1xf32> to vector<1x1xf32>
    %eq3A = arith.constant 0 : i32
    %eq3A_25 = arith.cmpi eq, %arg0, %eq3A : i32
    %convert_element_type3A = arith.extui %eq3A_25 : i1 to i32
    %cond3A = arith.constant 0 : i32
    %cond3A_26 = arith.cmpi ne, %convert_element_type3A, %cond3A : i32
    scf.if %cond3A_26 {
      %broadcast_in_dim3A_34 = arith.constant 0.000000e+00 : f32
      %broadcast_in_dim3A_35 = vector.broadcast %broadcast_in_dim3A_34 : f32 to vector<8x128xf32>
      %swap3A_36 = arith.constant 0 : index
      %swap3A_37 = arith.constant 0 : index
      %swap3A_38 = vector.load %arg4[%swap3A_36, %swap3A_37] : memref<8x128xf32, #tpu.memory_space<vmem>>, vector<8x128xf32>
      tpu.vector_store %arg4[%swap3A_36, %swap3A_37], %broadcast_in_dim3A_35 {strides = array<i32>} : memref<8x128xf32, #tpu.memory_space<vmem>>, vector<8x128xf32>,
    } else {
    }
    %get3A_27 = arith.constant 0 : index
    %get3A_28 = arith.constant 0 : index
    %get3A_29 = vector.load %arg4[%get3A_27, %get3A_28] : memref<8x128xf32, #tpu.memory_space<vmem>>, vector<1x1xf32>
    %add3A_30 = arith.addf %get3A_29, %broadcast_in_dim3A_24 : vector<1x1xf32>
    %swap3A_31 = arith.constant 0 : index
    %swap3A_32 = arith.constant 0 : index
    %swap3A_33 = vector.load %arg4[%swap3A_31, %swap3A_32] : memref<8x128xf32, #tpu.memory_space<vmem>>, vector<1x1xf32>
    tpu.vector_store %arg4[%swap3A_31, %swap3A_32], %add3A_30 {strides = array<i32>} : memref<8x128xf32, #tpu.memory_space<vmem>>, vector<1x1xf32>,
    return
  }
  func.func @transform_0(%arg0: i32) -> (i32, i32) {
    %c0_i32 = arith.constant 0 : i32
    %c0_i32_0 = arith.constant 0 : i32
    return %arg0, %c0_i32 : i32, i32
  }
  func.func @transform_1(%arg0: i32) -> (i32, i32) {
    %c0_i32 = arith.constant 0 : i32
    %c0_i32_0 = arith.constant 0 : i32
    %c0_i32_1 = arith.constant 0 : i32
    return %c0_i32, %c0_i32_0 : i32, i32
  }
  func.func @transform_2(%arg0: i32) -> (i32, i32, i32) {
    %c0_i32 = arith.constant 0 : i32
    %c0_i32_0 = arith.constant 0 : i32
    %c0_i32_1 = arith.constant 0 : i32
    return %arg0, %c0_i32, %c0_i32_0 : i32, i32, i32
  }
  func.func @transform_3(%arg0: i32) -> (i32, i32) {
    %c0_i32 = arith.constant 0 : i32
    %c0_i32_0 = arith.constant 0 : i32
    %c0_i32_1 = arith.constant 0 : i32
    return %c0_i32, %c0_i32_0 : i32, i32
  }
}

</mosaic_0001>

<sc_bundles>
// kernel: kernel.4.cloned.1.call-start
scs
__scs_entry_jumppad:
0x0: {  	(pc) =	sbr.rel $0x88, $3  }
0x1: {  	(tag) =	ssettag $0x0;
	lr =	simm.s32 $0x1  }
0x2: {  	[smem:$0x3F9F] =	sst lr;
	_ =	strace $0xD0000000  }
0x3: {  	_ = 	snop  }
0x4: {  	_ = 	snop  }
0x5: {  	_ = 	snop  }
0x6: {  	_ = 	snop  }
0x7: {  	_ = 	snop  }
__scs_overlays_trampoline_lowered:
0x8: {  	[smem:$0x3FAE] =	sst s0  }
0x9: {  	[smem:$0x3FAF] =	sst s1  }
0xa: {  	[smem:$0x3FB0] =	sst s2  }
0xb: {  	[smem:$0x3FB1] =	sst s3  }
0xc: {  	[smem:$0x3FB2] =	sst s4  }
0xd: {  	[smem:$0x3FB3] =	sst s5  }
0xe: {  	[smem:$0x3FB4] =	sst s6  }
0xf: {  	[smem:$0x3FB5] =	sst s7  }
0x10: {  	[smem:$0x3FB6] =	sst s8  }
0x11: {  	[smem:$0x3FB7] =	sst s9;
	s0 =	simm.s32 @!p0 $0x0  }
0x12: {  	s1 =	sld [smem:$0x3F9D];
	s0 =	simm.s32 @p0 $0x1  }
0x13: {  	[smem:$0x3FB8] =	sst s0;
	s0 =	simm.s32 @!p1 $0x0  }
0x14: {  	s2 =	sld [smem:$0x3F9C];
	s0 =	simm.s32 @p1 $0x1  }
0x15: {  	[smem:$0x3FB9] =	sst s0;
	s0 =	simm.s32 @!p2 $0x0  }
0x16: {  	s3 =	sld [smem:$0x3FDB];
	s0 =	simm.s32 @p2 $0x1  }
0x17: {  	s4 =	simm.s32 $0x1BF5;
	[smem:$0x3FBB] =	sst s0  }
0x18: {  	s0 =	sld [smem:$0x3F9E];
	_ =	swait.ge [sflag:s4], $0x0  }
0x19: {  	s7 =	sld [smem:$0x3F9F]  }
0x1a: {  	s8 =	sadd.s32 $0xFFFFE003, lr  }
0x1b: {  	s9 =	sadd.s32 $0xFFFFFEF7, lr;
	s5 =	simm.s32 $0xFFFFFFFF;
	p2 =	slt.u32 s8, $0xFFFFF086  }
0x1c: {  	p1 =	slt.u32 s9, $0xF7A;
	s5 =	simm.s32 @!p2 $0x0  }
0x1d: {  	s5 =	simm.s32 @p1 $0x1;
	p0 =	seq.s32 s7, s2  }
0x1e: {  	s7 =	smul.u32 @!p0 $0xF7A, s2;
	p2 =	seq.s32 @!p0 s5, $0x0  }
0x1f: {  	s9 =	smul.u32 $0xF7A, s1;
	s8 =	simm.s32 @!p0 $0x1BF5;
	p2 =	por !p2, p0  }
0x20: {  	[sflag:s8] =	ssyncset.s32 @!p0 $0xFFFFF086;
	s6 =	sadd.s32 @!p0 s3, s7;
	s7 =	simm.s32 @!p0 $0x108  }
0x21: {  	s3 =	sadd.s32 s3, s9;
	s6 =	sadd.s32 @!p0 $0x88, s6;
	s7 =	simm.s32 @p2 $0x1082  }
0x22: {  	[simem:s7], [sflag:s8] =	dma.local @!p0 [hbm:s6], $0xF7A  }
0x23: {  	s9 =	sor.u32 $0xD0000000, s2;
	s6 =	simm.s32 $0x108;
	_ =	swait.ge @!p0 [sflag:s8], $0x0  }
0x24: {  	s3 =	sadd.s32 $0x88, s3;
	s6 =	simm.s32 @!p1 $0x1082;
	[sflag:s4] =	ssyncset.s32 $0xFFFFF086  }
0x25: {  	[simem:s6], [sflag:s4] =	dma.local [hbm:s3], $0xF7A  }
0x26: {  	[smem:$0x3F9F] =	sst s1;
	(tag) =	ssettag s2;
	_ =	strace s9  }
0x27: {  	s1 =	sld [smem:$0x3FAF]  }
0x28: {  	s2 =	sld [smem:$0x3FB0]  }
0x29: {  	s4 =	sld [smem:$0x3FB2]  }
0x2a: {  	p0 =	seq.s32 s5, $0x0;
	s5 =	sld [smem:$0x3FB3]  }
0x2b: {  	s6 =	sld [smem:$0x3FB4]  }
0x2c: {  	s7 =	sld [smem:$0x3FB5]  }
0x2d: {  	s3 =	simm.s32 $0x108;
	s8 =	sld [smem:$0x3FB6]  }
0x2e: {  	s3 =	simm.s32 @!p0 $0x1082;
	s9 =	sld [smem:$0x3FB7]  }
0x2f: {  	lr =	sadd.s32 s0, s3;
	s0 =	sld [smem:$0x3FAE]  }
0x30: {  	s3 =	sld [smem:$0x3FB1]  }
0x31: {  	[smem:$0x3FBA] =	sst s10  }
0x32: {  	s10 =	sld [smem:$0x3FB8];
	_ =	sdelay $0x3  }
0x33: {  	p0 =	seq.s32 s10, $0x1;
	s10 =	sld [smem:$0x3FBA];
	_ =	sdelay $0x3  }
0x34: {  	[smem:$0x3FBA] =	sst s10  }
0x35: {  	s10 =	sld [smem:$0x3FB9];
	_ =	sdelay $0x3  }
0x36: {  	p1 =	seq.s32 s10, $0x1;
	s10 =	sld [smem:$0x3FBA];
	_ =	sdelay $0x3  }
0x37: {  	[smem:$0x3FBA] =	sst s10  }
0x38: {  	s10 =	sld [smem:$0x3FBB]  }
0x39: {  	_ = 	snop;
	(pc) =	sbr.ind lr, $3  }
0x3a: {  	_ = 	snop  }
0x3b: {  	_ = 	snop  }
0x3c: {  	p2 =	seq.s32 s10, $0x1;
	s10 =	sld [smem:$0x3FBA]  }
0x3d: {  	_ =	shalt  }
0x3e: {  	_ =	shalt  }
0x3f: {  	_ =	shalt  }
0x40: {  	_ =	shalt  }
0x41: {  	_ =	shalt  }
0x42: {  	_ =	shalt  }
0x43: {  	_ =	shalt  }
0x44: {  	_ =	shalt  }
0x45: {  	_ =	shalt  }
0x46: {  	_ =	shalt  }
0x47: {  	_ =	shalt  }
0x48: {  	_ =	shalt  }
0x49: {  	_ =	shalt  }
0x4a: {  	_ =	shalt  }
0x4b: {  	_ =	shalt  }
0x4c: {  	_ =	shalt  }
0x4d: {  	_ =	shalt  }
0x4e: {  	_ =	shalt  }
0x4f: {  	_ =	shalt  }
0x50: {  	_ =	shalt  }
0x51: {  	_ =	shalt  }
0x52: {  	_ =	shalt  }
0x53: {  	_ =	shalt  }
0x54: {  	_ =	shalt  }
0x55: {  	_ =	shalt  }
0x56: {  	_ =	shalt  }
0x57: {  	_ =	shalt  }
0x58: {  	_ =	shalt  }
0x59: {  	_ =	shalt  }
0x5a: {  	_ =	shalt  }
0x5b: {  	_ =	shalt  }
0x5c: {  	_ =	shalt  }
0x5d: {  	_ =	shalt  }
0x5e: {  	_ =	shalt  }
0x5f: {  	_ =	shalt  }
0x60: {  	_ =	shalt  }
0x61: {  	_ =	shalt  }
0x62: {  	_ =	shalt  }
0x63: {  	_ =	shalt  }
0x64: {  	_ =	shalt  }
0x65: {  	_ =	shalt  }
0x66: {  	_ =	shalt  }
0x67: {  	_ =	shalt  }
0x68: {  	_ =	shalt  }
0x69: {  	_ =	shalt  }
0x6a: {  	_ =	shalt  }
0x6b: {  	_ =	shalt  }
0x6c: {  	_ =	shalt  }
0x6d: {  	_ =	shalt  }
0x6e: {  	_ =	shalt  }
0x6f: {  	_ =	shalt  }
0x70: {  	_ =	shalt  }
0x71: {  	_ =	shalt  }
0x72: {  	_ =	shalt  }
0x73: {  	_ =	shalt  }
0x74: {  	_ =	shalt  }
0x75: {  	_ =	shalt  }
0x76: {  	_ =	shalt  }
0x77: {  	_ =	shalt  }
0x78: {  	_ =	shalt  }
0x79: {  	_ =	shalt  }
0x7a: {  	_ =	shalt  }
0x7b: {  	_ =	shalt  }
0x7c: {  	_ =	shalt  }
0x7d: {  	_ =	shalt  }
0x7e: {  	_ =	shalt  }
0x7f: {  	_ =	shalt  }
0x80: {  	_ =	shalt  }
0x81: {  	_ =	shalt  }
0x82: {  	_ =	shalt  }
0x83: {  	_ =	shalt  }
0x84: {  	_ =	shalt  }
0x85: {  	_ =	shalt  }
0x86: {  	_ =	shalt  }
0x87: {  	_ =	shalt  }
.Lfunc_end0:
.L_simem_size_0:
called_computation_lowered:
.L_overlay_start_0:
0x88: {  	s2 =	sld [smem:$0x3FD9]  }
0x89: {  	s3 =	sld [smem:$0x3FFE];
	_ =	sdelay $0x1  }
0x8a: {  	s1 =	srdreg.scid  }
0x8b: {  	s0 =	sand.u32 $0x1, s1  }
0x8c: {  	s14 =	sshll.u32 s0, $0xA;
	s2 =	sadd.s32 s3, s2  }
0x8d: {  	s2 =	sadd.s32 s2, s14  }
0x8e: {  	[smem:$0x3FC6] =	sst s2  }
0x8f: {  	_ = 	snop  }
0x90: {  	s2 =	sld [smem:$0x3FD0];
	_ =	sdelay $0x2  }
0x91: {  	s15 =	simm.s32 $0xA;
	s4 =	simm.s32 $0x10  }
0x92: {  	[smem:s4], [sflag:s15] =	dma.local [hbm:s2], $0x1  }
0x93: {  	_ =	swait.eq [sflag:s15], $0x1  }
0x94: {  	[sflag:s15] =	ssyncset.done $0x0  }
0x95: {  	s16 =	sld [smem:$0x10];
	[sflag:s15] =	ssyncadd.s32 $0xFFFFFFFF  }
0x96: {  	s17 =	sld [smem:$0x11];
	(tm) =	ssettm $0x1  }
0x97: {  	s18 =	sld [smem:$0x3FFB];
	_ =	sdelay $0x3  }
0x98: {  	_ =	strace s18  }
0x99: {  	s4 =	sld [smem:$0x3FFC];
	_ =	sdelay $0x3  }
0x9a: {  	_ =	strace s4  }
0x9b: {  	s4 =	sld [smem:$0x3FFD];
	_ =	sdelay $0x3  }
0x9c: {  	_ =	strace s4  }
0x9d: {  	_ =	strace $0x8FFFFFFF  }
0x9e: {  	s19 =	sld [smem:$0x3FDB];
	_ =	sdelay $0x1  }
0x9f: {  	s5 =	simm.s32 $_scs_section_size  }
0xa0: {  	s6 =	simm.s32 $_size__tile_overlayer_lowered;
	s7 =	simm.s32 $_tile_overlayer_lowered  }
0xa1: {  	s22 =	simm.s32 $0x1BFF;
	s21 =	sshll.u32 s7, $0x1;
	s4 =	sadd.s32 s5, s19  }
0xa2: {  	s8 =	simm.s32 $0x0;
	s20 =	sshll.u32 s6, $0x1;
	s6 =	sadd.s32 s21, s4  }
0xa3: {  	[timem:s8], [sflag:s22] =	dma.local [hbm:s6], s20  }
0xa4: {  	_ =	swait.ge [sflag:s22], s20  }
0xa5: {  	s5 =	ssub.s32 $0x0, s20;
	[sflag:s22] =	ssyncset.done $0x0  }
0xa6: {  	[sflag:s22] =	ssyncadd.s32 s5;
	_ =	sdelay $0x1  }
0xa7: {  	s23 =	simm.s32 $0x1B8B  }
0xa8: {  	_ =	swait.ge [sflag:s23], $0x1  }
0xa9: {  	[sflag:s23] =	ssyncset.done $0x0  }
0xaa: {  	s25 =	simm.s32 $0x1B8E;
	s24 =	sld [smem:$0x3FFE];
	[sflag:s23] =	ssyncadd.s32 $0xFFFFFFFF  }
0xab: {  	s26 =	simm.s32 $execute0_lowered;
	[smem:$0x3FD2] =	sst s25  }
0xac: {  	s6 =	sshll.u32 s26, $0x1;
	_ =	strace $0x80000046;
	[dreg:$0x1] =	wrdreg $0xFFFFFFFF  }
0xad: {  	s28 =	simm.s32 $_size_execute0_lowered;
	s4 =	sadd.s32 s4, s6;
	[dreg:$0x0] =	wrdreg $0x0  }
0xae: {  	s6 =	sshll.u32 s28, $0x1;
	[dreg:$0x2] =	wrdreg s4  }
0xaf: {  	[dreg:$0x3] =	wrdreg s6  }
0xb0: {  	[dreg:$0x4] =	wrdreg $0xC0  }
0xb1: {  	_ =	task [dreg:s8], $0x5FFFF  }
0xb2: {  	[dreg:$0x1] =	wrdreg $0xFFFFFFFF  }
0xb3: {  	[dreg:$0x0] =	wrdreg $0x60  }
0xb4: {  	[dreg:$0x2] =	wrdreg s24  }
0xb5: {  	[dreg:$0x3] =	wrdreg s17  }
0xb6: {  	[dreg:$0x4] =	wrdreg s16  }
0xb7: {  	[dreg:$0x5] =	wrdreg $0x9  }
0xb8: {  	_ =	task.clear_ibuf [dreg:s8], $0x6FFFF;
	_ =	strace $0x90000046  }
0xb9: {  	s29 =	simm.s32 $0x9;
	_ =	strace $0x80000048  }
0xba: {  	_ =	swait.ge [sflag:s29], $0x1  }
0xbb: {  	[sflag:s29] =	ssyncadd.s32 $0xFFFFFFFF  }
0xbc: {  	_ =	strace $0x90000048  }
0xbd: {  	_ =	sfence  }
0xbe: {  	s30 =	sld [smem:$0x0];
	_ =	sdelay $0x2  }
0xbf: {  	s31 =	sshll.u32 s1, $0xD;
	s1 =	sshrl.u32 s1, $0x2  }
0xc0: {  	s3 =	sand.u32 $0x4000, s31;
	s1 =	sadd.s32 s1, s30  }
0xc1: {  	s0 =	sor.u32 s3, s0;
	s1 =	sshll.u32 s1, $0x11  }
0xc2: {  	s0 =	sor.u32 s1, s0  }
0xc3: {  	s0 =	sadd.s32 $0x8F2B, s0  }
0xc4: {  	[sflag:s0] =	ssyncadd.remote.s32 $0x1  }
0xc5: {  	_ =	sfence.sel $0xFFFF  }
0xc6: {  	[dreg:$0x0] =	wrdreg $0xFFFFFFFF;
	(pc) =	sbr.abs _section_cstart, $3  }
0xc7: {  	[dreg:$0x1] =	wrdreg $0xFFFFFFFF  }
0xc8: {  	_ =	task.clear_ibuf [dreg:s8], $0x2FFFF;
	_ =	strace $0x9FFFFFFF  }
0xc9: {  	(tm) =	ssettm $0x7FFFFFFF  }
tec
execute0_lowered:
.L_overlay_start_1:
0x0: {  	(tag) =	ssettag $0x1  }
0x1: {  	s3 =	rddreg [dreg:$0x0]  }
0x2: {  	s4 =	rddreg [dreg:$0x1]  }
0x3: {  	s5 =	rddreg [dreg:$0x2]  }
0x4: {  	s0 =	rddreg [dreg:$0x3];
	s6 =	srdreg.scid  }
0x5: {  	s1 =	stileid.u32;
	s2 =	simm.s32 $0x0;
	s11 =	simm.s32 $0x2400  }
0x6: {  	s12 =	simm.s32 $0x2800;
	s13 =	simm.s32 $0x3000;
	s14 =	simm.s32 $0x0  }
0x7: {  	s6 =	sand.u32 $0x1, s6;
	s7 =	sshll.u32 s1, $0x1;
	[smem:$0x7FF] =	sst s2  }
0x8: {  	s7 =	sor.u32 s6, s7;
	_ =	strace $0x80000047;
	s6 =	ssub.s32 $0x2, s6  }
0x9: {  	s8 =	sshll.u32 s7, $0xA;
	s9 =	sshll.u32 s7, $0x8;
	s10 =	sshrl.u32 s6, $0x1  }
0xa: {  	s31 =	sshll.u32 s7, $0x7;
	s8 =	sadd.s32 s8, s3;
	s9 =	sadd.s32 s9, s3  }
0xb: {  	s10 =	ssub.s32 s6, s10;
	s4 =	sadd.s32 s4, s31;
	s5 =	sadd.s32 s5, s31  }
0xc: {  	s3 =	sadd.s32 $0x200, s8;
	s6 =	sadd.s32 $0x8200, s9;
	s7 =	sadd.s32 $0xA200, s9  }
0xd: {  	v0 =	vimm.f32 $0.0e+00;
	v1 =	vimm.s32 $0x10;
	s8 =	smax.u32 s10, $0x1;
	s9 =	simm.s32 $0x1;
	s10 =	simm.s32 $0x2000  }
.LBB2_1:
0xe: {  	[tilespmem:s2], [sflag:$0x1] =	stream.linear.gather [hbm4b:s3+s2], $0x2000, $0x38;
	[tilespmem:$0x3800] =	vst v63  }
0xf: {  	_ =	swait.ge [sflag:s9], $0x2000  }
0x10: {  	[sflag:s9] =	ssyncset.done $0x0  }
0x11: {  	[sflag:s9] =	ssyncadd.s32 $0xFFFFE000  }
0x12: {  	[tilespmem:$0x2800] =	vst v0  }
0x13: {  	[tilespmem:$0x3000] =	vst v0  }
0x14: {  	[tilespmem:$0x2880] =	vst v0  }
0x15: {  	[tilespmem:$0x3080] =	vst v0  }
0x16: {  	[tilespmem:$0x2900] =	vst v0  }
0x17: {  	[tilespmem:$0x3100] =	vst v0  }
0x18: {  	[tilespmem:$0x2980] =	vst v0  }
0x19: {  	[tilespmem:$0x3180] =	vst v0  }
0x1a: {  	[tilespmem:$0x2A00] =	vst v0  }
0x1b: {  	[tilespmem:$0x3200] =	vst v0  }
0x1c: {  	[tilespmem:$0x2A80] =	vst v0  }
0x1d: {  	[tilespmem:$0x3280] =	vst v0  }
0x1e: {  	[tilespmem:$0x2B00] =	vst v0  }
0x1f: {  	[tilespmem:$0x3300] =	vst v0  }
0x20: {  	[tilespmem:$0x2B80] =	vst v0  }
0x21: {  	[tilespmem:$0x3380] =	vst v0  }
0x22: {  	[tilespmem:$0x2C00] =	vst v0  }
0x23: {  	[tilespmem:$0x3400] =	vst v0  }
0x24: {  	[tilespmem:$0x2C80] =	vst v0  }
0x25: {  	[tilespmem:$0x3480] =	vst v0  }
0x26: {  	[tilespmem:$0x2D00] =	vst v0  }
0x27: {  	[tilespmem:$0x3500] =	vst v0  }
0x28: {  	[tilespmem:$0x2D80] =	vst v0  }
0x29: {  	[tilespmem:$0x3580] =	vst v0  }
0x2a: {  	[tilespmem:$0x2E00] =	vst v0  }
0x2b: {  	[tilespmem:$0x3600] =	vst v0  }
0x2c: {  	[tilespmem:$0x2E80] =	vst v0  }
0x2d: {  	[tilespmem:$0x3680] =	vst v0  }
0x2e: {  	[tilespmem:$0x2F00] =	vst v0  }
0x2f: {  	[tilespmem:$0x3700] =	vst v0  }
0x30: {  	[tilespmem:$0x2F80] =	vst v0  }
0x31: {  	s15 =	simm.s32 $0x0;
	s16 =	simm.s32 $0x0;
	[tilespmem:$0x3780] =	vst v0  }
.LBB2_2:
0x32: {  	s18 =	sshll.u32 s16, $0x7  }
0x33: {  	s17 =	sand.u32 $0x70, s15;
	s18 =	sand.u32 $0x3FFFFC00, s18  }
0x34: {  	s18 =	sor.u32 s17, s18  }
0x35: {  	v31 =	vld [tilespmem:s18+$0x0]  }
0x36: {  	v32 =	vld [tilespmem:s18+$0x80]  }
0x37: {  	v30 =	vld [tilespmem:s18+$0x100]  }
0x38: {  	v29 =	vld [tilespmem:s18+$0x180]  }
0x39: {  	v28 =	vld [tilespmem:s18+$0x200]  }
0x3a: {  	v27 =	vld [tilespmem:s18+$0x280]  }
0x3b: {  	v26 =	vld [tilespmem:s18+$0x300];
	v2 =	vmax.f32 v31, v32  }
0x3c: {  	v25 =	vld [tilespmem:s18+$0x380];
	v2 =	vmax.f32 v2, v30  }
0x3d: {  	v24 =	vld [tilespmem:s18+$0x1000];
	v2 =	vmax.f32 v2, v29  }
0x3e: {  	v23 =	vld [tilespmem:s18+$0x1080];
	v2 =	vmax.f32 v2, v28  }
0x3f: {  	v22 =	vld [tilespmem:s18+$0x1100];
	v2 =	vmax.f32 v2, v27  }
0x40: {  	v21 =	vld [tilespmem:s18+$0x1180];
	v2 =	vmax.f32 v2, v26  }
0x41: {  	v20 =	vld [tilespmem:s18+$0x1200];
	v2 =	vmax.f32 v2, v25  }
0x42: {  	v19 =	vld [tilespmem:s18+$0x1280];
	v2 =	vmax.f32 v2, v24  }
0x43: {  	v15 =	vld [tilespmem:s18+$0x1300];
	v2 =	vmax.f32 v2, v23  }
0x44: {  	v13 =	vld [tilespmem:s18+$0x1380];
	v2 =	vmax.f32 v2, v22  }
0x45: {  	v2 =	vmax.f32 v2, v21  }
0x46: {  	v2 =	vmax.f32 v2, v20  }
0x47: {  	v2 =	vmax.f32 v2, v19  }
0x48: {  	v2 =	vmax.f32 v2, v15  }
0x49: {  	v17 =	vmax.f32 v2, v13  }
0x4a: {  	v2 =	vsub.f32 v31, v17  }
0x4b: {  	v3 =	vsub.f32 v32, v17  }
0x4c: {  	v2 =	vmul.f32 $1.442695020e+00, v2  }
0x4d: {  	v4 =	vsub.f32 v30, v17;
	v3 =	vmul.f32 $1.442695020e+00, v3  }
0x4e: {  	(erf) = vpow2.f32 v2  }
0x4f: {  	v2 =	vmul.f32 $1.442695020e+00, v4;
	(erf) = vpow2.f32 v3;
	v3 =	vsub.f32 v29, v17;
	_ =	sdelay $0x1  }
0x50: {  	(erf) = vpow2.f32 v2;
	v2 =	vmul.f32 $1.442695020e+00, v3;
	v3 =	vsub.f32 v28, v17;
	_ =	sdelay $0x1  }
0x51: {  	(erf) = vpow2.f32 v2;
	v2 =	vmul.f32 $1.442695020e+00, v3;
	v3 =	vsub.f32 v27, v17;
	_ =	sdelay $0x1  }
0x52: {  	(erf) = vpow2.f32 v2;
	v2 =	vmul.f32 $1.442695020e+00, v3;
	v3 =	vsub.f32 v26, v17  }
0x53: {  	v51 =	vsub.f32 v25, v17  }
0x54: {  	(erf) = vpow2.f32 v2;
	v2 =	vmul.f32 $1.442695020e+00, v3  }
0x55: {  	v52 =	vsub.f32 v24, v17;
	v18 =	vpop (erf);
	v3 =	vmul.f32 $1.442695020e+00, v51  }
0x56: {  	v16 =	vpop (erf);
	(erf) = vpow2.f32 v2;
	v2 =	vsub.f32 v23, v17  }
0x57: {  	v53 =	vsub.f32 v22, v17;
	v12 =	vpop (erf);
	(erf) = vpow2.f32 v3;
	v3 =	vmul.f32 $1.442695020e+00, v52  }
0x58: {  	v6 =	vsub.f32 v21, v17;
	v5 =	vadd.f32 v16, v18;
	v2 =	vmul.f32 $1.442695020e+00, v2  }
0x59: {  	v54 =	vsub.f32 v20, v17;
	v14 =	vpop (erf);
	(erf) = vpow2.f32 v3;
	v3 =	vmul.f32 $1.442695020e+00, v53  }
0x5a: {  	v5 =	vadd.f32 v5, v12;
	(erf) = vpow2.f32 v2;
	v2 =	vmul.f32 $1.442695020e+00, v6  }
0x5b: {  	v11 =	vpop (erf);
	(erf) = vpow2.f32 v3;
	v3 =	vmul.f32 $1.442695020e+00, v54  }
0x5c: {  	v5 =	vadd.f32 v5, v14;
	(erf) = vpow2.f32 v2  }
0x5d: {  	vm0 =	veq.f32 v13, v17;
	v9 =	vpop (erf);
	(erf) = vpow2.f32 v3;
	v3 =	vsub.f32 v19, v17  }
0x5e: {  	vm1 =	veq.f32 v15, v17;
	v55 =	vsel vm0, $0xF, v1;
	v2 =	vadd.f32 v5, v11  }
0x5f: {  	vm13 =	veq.f32 v19, v17;
	v4 =	vsel vm1, $0xE, v55;
	v3 =	vmul.f32 $1.442695020e+00, v3  }
0x60: {  	vm14 =	veq.f32 v20, v17;
	v4 =	vsel vm13, $0xD, v4;
	v2 =	vadd.f32 v2, v9  }
0x61: {  	vm15 =	veq.f32 v21, v17;
	v10 =	vpop (erf);
	(erf) = vpow2.f32 v3;
	v3 =	vsel vm14, $0xC, v4  }
0x62: {  	vm4 =	veq.f32 v22, v17;
	v2 =	vadd.f32 v2, v10;
	v3 =	vsel vm15, $0xB, v3  }
0x63: {  	vm5 =	veq.f32 v23, v17;
	v8 =	vpop (erf);
	v3 =	vsel vm4, $0xA, v3  }
0x64: {  	vm6 =	veq.f32 v24, v17;
	v2 =	vadd.f32 v2, v8;
	v3 =	vsel vm5, $0x9, v3  }
0x65: {  	v56 =	vsub.f32 v15, v17;
	vm7 =	veq.f32 v25, v17;
	v6 =	vpop (erf);
	v3 =	vsel vm6, $0x8, v3  }
0x66: {  	vm8 =	veq.f32 v26, v17;
	v2 =	vadd.f32 v2, v6;
	v3 =	vsel vm7, $0x7, v3  }
0x67: {  	vm9 =	veq.f32 v27, v17;
	v4 =	vmul.f32 $1.442695020e+00, v56;
	v7 =	vpop (erf);
	v3 =	vsel vm8, $0x6, v3  }
0x68: {  	vm10 =	veq.f32 v28, v17;
	v2 =	vadd.f32 v2, v7;
	v57 =	vsel vm9, $0x5, v3  }
0x69: {  	vm11 =	veq.f32 v29, v17;
	(erf) = vpow2.f32 v4;
	v5 =	vpop (erf);
	v4 =	vsel vm10, $0x4, v57  }
0x6a: {  	vm12 =	veq.f32 v30, v17;
	v2 =	vadd.f32 v2, v5;
	v34 =	vsel vm11, $0x3, v4  }
0x6b: {  	v33 =	vsub.f32 v13, v17;
	vm13 =	veq.f32 v32, v17;
	v3 =	vpop (erf);
	v34 =	vsel vm12, $0x2, v34  }
0x6c: {  	vm14 =	veq.f32 v31, v17;
	v2 =	vadd.f32 v2, v3;
	v34 =	vsel vm13, $0x1, v34  }
0x6d: {  	v61 =	vimm.s32 $0x0;
	v33 =	vmul.f32 $1.442695020e+00, v33;
	v4 =	vpop (erf);
	v58 =	vsel vm14, $0x0, v34  }
0x6e: {  	v35 =	vadd.f32 v2, v4;
	vm15 =	veq.s32 v58, $0x0;
	vm14 =	veq.s32 v58, $0x1  }
0x6f: {  	vm13 =	veq.s32 v58, $0x2;
	vm12 =	veq.s32 v58, $0x3;
	vm11 =	veq.s32 v58, $0x4  }
0x70: {  	vm10 =	veq.s32 v58, $0x5;
	vm9 =	veq.s32 v58, $0x6;
	vm8 =	veq.s32 v58, $0x7  }
0x71: {  	vm7 =	veq.s32 v58, $0x8;
	v31 =	vsel vm15, $0xF149F2CA, v31;
	v32 =	vsel vm14, $0xF149F2CA, v32  }
0x72: {  	vm6 =	veq.s32 v58, $0x9;
	v2 =	vpop (erf);
	v30 =	vsel vm13, $0xF149F2CA, v30;
	v60 =	vmax.f32 v31, v32  }
0x73: {  	v29 =	vsel vm12, $0xF149F2CA, v29;
	v59 =	vadd.f32 v35, v2;
	v35 =	vmax.f32 v60, v30  }
0x74: {  	vm5 =	veq.s32 v58, $0xA;
	v28 =	vsel vm11, $0xF149F2CA, v28;
	v35 =	vmax.f32 v35, v29  }
0x75: {  	vm4 =	veq.s32 v58, $0xB;
	v27 =	vsel vm10, $0xF149F2CA, v27;
	v35 =	vmax.f32 v35, v28  }
0x76: {  	vm3 =	veq.s32 v58, $0xC;
	v26 =	vsel vm9, $0xF149F2CA, v26;
	v35 =	vmax.f32 v35, v27  }
0x77: {  	vm2 =	veq.s32 v58, $0xD;
	v25 =	vsel vm8, $0xF149F2CA, v25;
	v35 =	vmax.f32 v35, v26  }
0x78: {  	(erf) = vpow2.f32 v33;
	v24 =	vsel vm7, $0xF149F2CA, v24;
	v35 =	vmax.f32 v35, v25  }
0x79: {  	vm1 =	veq.s32 v58, $0xE;
	v23 =	vsel vm6, $0xF149F2CA, v23;
	v35 =	vmax.f32 v35, v24  }
0x7a: {  	vm0 =	veq.s32 v58, $0xF;
	v22 =	vsel vm5, $0xF149F2CA, v22;
	v35 =	vmax.f32 v35, v23  }
0x7b: {  	v21 =	vsel vm4, $0xF149F2CA, v21;
	v20 =	vsel vm3, $0xF149F2CA, v20;
	v35 =	vmax.f32 v35, v22  }
0x7c: {  	v36 =	vsel vm1, $0xF149F2CA, v15;
	v15 =	vsel vm0, $0xFFFFFFFF, v61;
	v35 =	vmax.f32 v35, v21  }
0x7d: {  	v19 =	vsel vm2, $0xF149F2CA, v19;
	v35 =	vmax.f32 v35, v20  }
0x7e: {  	v35 =	vmax.f32 v35, v19  }
0x7f: {  	v37 =	vsel vm0, $0xF149F2CA, v13;
	[tilespmem:$0x1FFF0] =	vst v15;
	v15 =	vpop (erf);
	v62 =	vmax.f32 v35, v36  }
0x80: {  	v34 =	vadd.f32 v59, v15;
	v35 =	vmax.f32 v62, v37  }
0x81: {  	v13 =	vpop (erf);
	v17 =	vsub.f32 v35, v17  }
0x82: {  	v34 =	vadd.f32 v34, v13  }
0x83: {  	v17 =	vmul.f32 $1.442695020e+00, v17  }
0x84: {  	(erf) = vrcp.f32 v34  }
0x85: {  	(erf) = vpow2.f32 v17;
	_ =	sdelay $0x4  }
0x86: {  	vm0 =	veq.f32 v37, v35  }
0x87: {  	v37 =	vsel vm0, $0xF, v1;
	vm0 =	veq.f32 v36, v35  }
0x88: {  	v36 =	vsel vm0, $0xE, v37;
	vm0 =	veq.f32 v19, v35  }
0x89: {  	v19 =	vsel vm0, $0xD, v36;
	vm0 =	veq.f32 v20, v35;
	v17 =	vpop (erf)  }
0x8a: {  	v19 =	vsel vm0, $0xC, v19;
	vm0 =	veq.f32 v21, v35;
	v63 =	vpop (erf)  }
0x8b: {  	v19 =	vsel vm0, $0xB, v19;
	vm0 =	veq.f32 v22, v35;
	v34 =	vadd.f32 $1.000000000e+00, v63  }
0x8c: {  	v19 =	vsel vm0, $0xA, v19;
	vm0 =	veq.f32 v23, v35  }
0x8d: {  	v19 =	vsel vm0, $0x9, v19;
	vm0 =	veq.f32 v24, v35;
	(erf) = vrcp.f32 v34  }
0x8e: {  	v19 =	vsel vm0, $0x8, v19;
	vm0 =	veq.f32 v25, v35  }
0x8f: {  	v19 =	vsel vm0, $0x7, v19;
	vm0 =	veq.f32 v26, v35  }
0x90: {  	v19 =	vsel vm0, $0x6, v19;
	vm0 =	veq.f32 v27, v35  }
0x91: {  	v19 =	vsel vm0, $0x5, v19;
	vm0 =	veq.f32 v28, v35  }
0x92: {  	v19 =	vsel vm0, $0x4, v19;
	vm0 =	veq.f32 v29, v35  }
0x93: {  	s31 =	sshll.u32 s16, $0x5;
	v19 =	vsel vm0, $0x3, v19;
	vm0 =	veq.f32 v30, v35  }
0x94: {  	s18 =	sand.u32 $0xFFFFFF00, s31;
	v19 =	vsel vm0, $0x2, v19;
	vm0 =	veq.f32 v32, v35  }
0x95: {  	s17 =	sor.u32 s17, s18;
	v19 =	vsel vm0, $0x1, v19;
	vm0 =	veq.f32 v31, v35  }
0x96: {  	[tilespmem:s17+$0x2400] =	vst v58;
	v19 =	vsel vm0, $0x0, v19;
	v38 =	vpop (erf)  }
0x97: {  	[tilespmem:s17+$0x2480] =	vst v19;
	v39 =	vsub.f32 $1.000000000e+00, v38  }
0x98: {  	[tilespmem:s17+$0x2000] =	vst v38  }
0x99: {  	[tilespmem:s17+$0x2080] =	vst v39  }
0x9a: {  	v20 =	vld [tilespmem:$0x2800]  }
0x9b: {  	v18 =	vmul.f32 v17, v18;
	v16 =	vmul.f32 v17, v16;
	v42 =	vld [tilespmem:$0x3000]  }
0x9c: {  	v40 =	vsel vm15, $0x3F800000, v0;
	v12 =	vmul.f32 v17, v12;
	v14 =	vmul.f32 v17, v14;
	v45 =	vld [tilespmem:$0x3080]  }
0x9d: {  	v43 =	vsel vm14, $0x3F800000, v0;
	v11 =	vmul.f32 v17, v11;
	v9 =	vmul.f32 v17, v9;
	v47 =	vld [tilespmem:$0x2880]  }
0x9e: {  	v46 =	vsel vm13, $0x3F800000, v0;
	v10 =	vmul.f32 v17, v10;
	v8 =	vmul.f32 v17, v8;
	v49 =	vld [tilespmem:$0x3100]  }
0x9f: {  	v50 =	vsel vm12, $0x3F800000, v0;
	v6 =	vmul.f32 v17, v6;
	v7 =	vmul.f32 v17, v7;
	v54 =	vld [tilespmem:$0x2900]  }
0xa0: {  	v52 =	vsel vm11, $0x3F800000, v0;
	v5 =	vmul.f32 v17, v5;
	v3 =	vmul.f32 v17, v3;
	v56 =	vld [tilespmem:$0x2980]  }
0xa1: {  	v59 =	vsel vm10, $0x3F800000, v0;
	v4 =	vmul.f32 v17, v4;
	v2 =	vmul.f32 v17, v2;
	v37 =	vld [tilespmem:$0x2A00]  }
0xa2: {  	v31 =	vsel vm5, $0x3F800000, v0;
	vm0 =	veq.s32 v19, $0x0;
	v30 =	vld [tilespmem:$0x2D00];
	v18 =	vadd.f32 v18, v20  }
0xa3: {  	vm15 =	veq.s32 v19, $0x1;
	vm12 =	veq.s32 v19, $0x4;
	v35 =	vld [tilespmem:$0x2D80];
	v16 =	vadd.f32 v16, v47  }
0xa4: {  	vm13 =	veq.s32 v19, $0x5;
	vm14 =	veq.s32 v19, $0x6;
	v58 =	vld [tilespmem:$0x3180];
	v12 =	vadd.f32 v12, v54;
	[tilespmem:$0x2800] =	vst v18  }
0xa5: {  	vm10 =	veq.s32 v19, $0xB;
	vm11 =	veq.s32 v19, $0xC;
	v61 =	vld [tilespmem:$0x3200];
	v14 =	vadd.f32 v14, v56;
	[tilespmem:$0x2880] =	vst v16  }
0xa6: {  	v41 =	vsel vm0, $0x3F800000, v0;
	v44 =	vsel vm15, $0x3F800000, v0;
	v38 =	vld [tilespmem:$0x3280];
	v11 =	vadd.f32 v11, v37;
	[tilespmem:$0x2900] =	vst v12  }
0xa7: {  	vm15 =	veq.s32 v19, $0x2;
	v28 =	vld [tilespmem:$0x3500];
	v55 =	vadd.f32 v40, v42;
	v5 =	vadd.f32 v30, v5;
	[tilespmem:$0x2980] =	vst v14  }
0xa8: {  	vm0 =	veq.s32 v19, $0x3;
	v57 =	vadd.f32 v43, v45;
	v42 =	vld [tilespmem:$0x2A80];
	v3 =	vadd.f32 v35, v3;
	[tilespmem:$0x2A00] =	vst v11  }
0xa9: {  	v53 =	vsel vm12, $0x3F800000, v0;
	v63 =	vadd.f32 v46, v49;
	v46 =	vld [tilespmem:$0x3300];
	v20 =	vadd.f32 v41, v55;
	[tilespmem:$0x2D00] =	vst v5  }
0xaa: {  	v48 =	vsel vm15, $0x3F800000, v0;
	v43 =	vadd.f32 v50, v58;
	v50 =	vld [tilespmem:$0x3380];
	v62 =	vadd.f32 v44, v57;
	[tilespmem:$0x2D80] =	vst v3  }
0xab: {  	v51 =	vsel vm0, $0x3F800000, v0;
	v45 =	vadd.f32 v61, v52;
	v52 =	vld [tilespmem:$0x2B80];
	v41 =	vadd.f32 v48, v63;
	[tilespmem:$0x3000] =	vst v20  }
0xac: {  	v60 =	vsel vm13, $0x3F800000, v0;
	v44 =	vld [tilespmem:$0x2B00];
	v49 =	vadd.f32 v51, v43;
	v51 =	vadd.f32 v38, v59;
	[tilespmem:$0x3080] =	vst v62  }
0xad: {  	vm12 =	veq.s32 v19, $0xD;
	vm13 =	veq.s32 v19, $0xE;
	v32 =	vld [tilespmem:$0x3580];
	v12 =	vadd.f32 v53, v45;
	[tilespmem:$0x3100] =	vst v41  }
0xae: {  	v39 =	vsel vm9, $0x3F800000, v0;
	vm9 =	veq.s32 v19, $0xA;
	v54 =	vld [tilespmem:$0x3400];
	[tilespmem:$0x3180] =	vst v49;
	v56 =	vadd.f32 v60, v51  }
0xaf: {  	vm15 =	veq.s32 v19, $0x7;
	v33 =	vsel vm9, $0x3F800000, v0;
	v57 =	vld [tilespmem:$0x2C00];
	[tilespmem:$0x3200] =	vst v12;
	v9 =	vadd.f32 v42, v9  }
0xb0: {  	v47 =	vsel vm8, $0x3F800000, v0;
	v37 =	vld [tilespmem:$0x3600];
	v58 =	vadd.f32 v46, v39;
	v8 =	vadd.f32 v52, v8;
	[tilespmem:$0x3280] =	vst v56  }
0xb1: {  	v40 =	vsel vm14, $0x3F800000, v0;
	v59 =	vld [tilespmem:$0x2C80];
	v60 =	vadd.f32 v50, v47;
	v10 =	vadd.f32 v44, v10;
	[tilespmem:$0x2A80] =	vst v9  }
0xb2: {  	v48 =	vsel vm15, $0x3F800000, v0;
	v53 =	vsel vm7, $0x3F800000, v0;
	v43 =	vld [tilespmem:$0x2E80];
	v27 =	vadd.f32 v40, v58;
	[tilespmem:$0x2B80] =	vst v8  }
0xb3: {  	vm7 =	veq.s32 v19, $0x8;
	v62 =	vld [tilespmem:$0x3480];
	v29 =	vadd.f32 v54, v53;
	v9 =	vadd.f32 v48, v60;
	[tilespmem:$0x2B00] =	vst v10  }
0xb4: {  	v61 =	vsel vm6, $0x3F800000, v0;
	v55 =	vsel vm7, $0x3F800000, v0;
	v6 =	vadd.f32 v57, v6;
	[tilespmem:$0x3300] =	vst v27  }
0xb5: {  	v38 =	vadd.f32 v28, v31;
	v45 =	vld [tilespmem:$0x3680];
	v39 =	vsel vm4, $0x3F800000, v0;
	v34 =	vadd.f32 v55, v29;
	[tilespmem:$0x3380] =	vst v9  }
0xb6: {  	v51 =	vld [tilespmem:$0x2F00];
	v46 =	vsel vm3, $0x3F800000, v0;
	v7 =	vadd.f32 v59, v7;
	v44 =	vadd.f32 v32, v39;
	[tilespmem:$0x2C00] =	vst v6  }
0xb7: {  	vm8 =	veq.s32 v19, $0x9;
	v49 =	vld [tilespmem:$0x3700];
	v48 =	vadd.f32 v37, v46;
	v2 =	vadd.f32 v43, v2;
	[tilespmem:$0x3400] =	vst v34  }
0xb8: {  	v41 =	vsel vm10, $0x3F800000, v0;
	v36 =	vadd.f32 v62, v61;
	[tilespmem:$0x2C80] =	vst v7;
	v6 =	vadd.f32 v33, v38;
	v61 =	vld [tilespmem:$0x1FFF0]  }
0xb9: {  	v47 =	vsel vm11, $0x3F800000, v0;
	v56 =	vmul.f32 v17, v15;
	v40 =	vld [tilespmem:$0x2E00];
	v50 =	vadd.f32 v41, v44;
	[tilespmem:$0x2E80] =	vst v2  }
0xba: {  	v63 =	vsel vm8, $0x3F800000, v0;
	v52 =	vsel vm2, $0x3F800000, v0;
	v53 =	vld [tilespmem:$0x3780];
	v3 =	vadd.f32 v48, v47;
	[tilespmem:$0x3500] =	vst v6  }
0xbb: {  	v54 =	vsel vm12, $0x3F800000, v0;
	v5 =	vadd.f32 v45, v52;
	v55 =	vld [tilespmem:$0x2F80];
	v2 =	vadd.f32 v51, v56;
	[tilespmem:$0x3580] =	vst v50  }
0xbc: {  	v57 =	vsel vm1, $0x3F800000, v0;
	v58 =	vsel vm13, $0x3F800000, v0;
	v42 =	vadd.f32 v63, v36;
	[tilespmem:$0x3600] =	vst v3  }
0xbd: {  	v59 =	vadd.f32 v49, v57;
	v3 =	vadd.f32 v5, v54;
	[tilespmem:$0x2F00] =	vst v2;
	vm14 =	vnez.u8 v61  }
0xbe: {  	p0 =	sne.s32 s16, $0x1F;
	v60 =	vmul.f32 v17, v13;
	v4 =	vadd.f32 v40, v4;
	[tilespmem:$0x3480] =	vst v42;
	v7 =	vsel vm14, $0x3F800000, v0  }
.Ltmp0:
0xbf: {  	vm15 =	veq.s32 v19, $0xF;
	[tilespmem:$0x3680] =	vst v3;
	v3 =	vadd.f32 v59, v58;
	v62 =	vadd.f32 v53, v7;
	(pc) =	sbr.rel @p0 .LBB2_2-.Ltmp0, $4  }
0xc0: {  	v63 =	vsel vm15, $0x3F800000, v0;
	v2 =	vadd.f32 v55, v60;
	[tilespmem:$0x2E00] =	vst v4  }
0xc1: {  	[tilespmem:$0x3700] =	vst v3;
	v3 =	vadd.f32 v62, v63  }
0xc2: {  	[tilespmem:$0x2F80] =	vst v2  }
0xc3: {  	s15 =	sadd.s32 $0x10, s15;
	s16 =	sadd.s32 $0x1, s16;
	[tilespmem:$0x3780] =	vst v3  }
0xc4: {  	[hbm4b:s4+s2] =	stream.linear.scatter [tilespmem:s10], [sflag:$0x1], $0x400, $0x38;
	[tilespmem:$0x3800] =	vst v63  }
0xc5: {  	_ =	swait.ge [sflag:s9], $0x400  }
0xc6: {  	[sflag:s9] =	ssyncset.done $0x0  }
0xc7: {  	[sflag:s9] =	ssyncadd.s32 $0xFFFFFC00  }
0xc8: {  	[hbm4b:s5+s2] =	stream.linear.scatter [tilespmem:s11], [sflag:$0x1], $0x400, $0x38;
	[tilespmem:$0x3800] =	vst v63  }
0xc9: {  	_ =	swait.ge [sflag:s9], $0x400  }
0xca: {  	[sflag:s9] =	ssyncset.done $0x0  }
0xcb: {  	[sflag:s9] =	ssyncadd.s32 $0xFFFFFC00  }
0xcc: {  	[hbm4b:s6+s2] =	stream.linear.scatter [tilespmem:s12], [sflag:$0x1], $0x800, $0x38;
	[tilespmem:$0x3800] =	vst v63  }
0xcd: {  	s14 =	sadd.s32 $0x1, s14;
	_ =	swait.ge [sflag:s9], $0x800  }
0xce: {  	p0 =	sne.s32 s14, s8;
	[sflag:s9] =	ssyncset.done $0x0  }
.Ltmp1:
0xcf: {  	[sflag:s9] =	ssyncadd.s32 $0xFFFFF800;
	(pc) =	sbr.rel @p0 .LBB2_1-.Ltmp1, $4  }
0xd0: {  	[hbm4b:s7+s2] =	stream.linear.scatter [tilespmem:s13], [sflag:$0x1], $0x800, $0x38;
	[tilespmem:$0x3800] =	vst v63  }
0xd1: {  	_ =	swait.ge [sflag:s9], $0x800  }
0xd2: {  	[sflag:s9] =	ssyncset.done $0x0  }
0xd3: {  	[sflag:s9] =	ssyncadd.s32 $0xFFFFF800  }
0xd4: {  	_ =	sfence.sel $0x180000  }
0xd5: {  	[bflag:$0x0] =	sbarrier.arrive $0xFFFF  }
0xd6: {  	p0 =	sne.s32 s1, $0x0;
	_ =	strace $0x90000047  }
0xd7: {  	s0 =	sadd.s32 @!p0 $0x100000, s0;
	[bflag:$0x2] =	sbarrier.arrive $0xFFFF  }
0xd8: {  	[sflag:s0] =	ssyncadd.tile.s32 @!p0 $0x1;
	_ =	shalt  }
.Lfunc_end2:
_tile_overlayer_lowered:
.L_overlay_start_2:
0xd9: {  	(tag) =	ssettag $0x2  }
0xda: {  	s0 =	rddreg [dreg:$0x0];
	s2 =	stileid.u32  }
0xdb: {  	s1 =	rddreg [dreg:$0x1];
	p0 =	sne.s32 s2, $0x0  }
0xdc: {  	s3 =	rddreg [dreg:$0x2];
	[bflag:$0x3] =	sbarrier.arrive $0xFFFF;
	s2 =	simm.s32 @!p0 $0x1C01  }
0xdd: {  	[timem:s3], [sflag:s2] =	dma.local @!p0 [hbm:s0], s1  }
0xde: {  	s0 =	simm.s32 @!p0 $0x1  }
0xdf: {  	_ =	swait.ge @!p0 [sflag:s0], s1  }
0xe0: {  	s1 =	ssub.s32 @!p0 $0x0, s1;
	[sflag:s0] =	ssyncset.done @!p0 $0x0  }
0xe1: {  	[sflag:s0] =	ssyncadd.s32 @!p0 s1  }
0xe2: {  	[bflag:$0x3] =	sbarrier.arrive $0xFFFF  }
0xe3: {  	_ =	shalt  }

</sc_bundles>
